<compile_context>
chip_gen: v7x
topology: tpu7x:2x2x1
jax: 0.10.2.dev20260603
libtpu: 0.0.44.dev20260713+nightly
codegen_flags: <defaults>
</compile_context>

<pallas_src>
import functools

import jax
import jax.numpy as jnp
from jax import lax
from jax.experimental import pallas as pl
from jax.experimental.pallas import tpu as pltpu
from jax.experimental.pallas import tpu_sc as plsc

N = 100000
D = 128
NG = 1024

TILE_N = 10000

NW = 32
ROWS_PER_W = N // NW
CHUNK = 125
NCHUNK = ROWS_PER_W // CHUNK
ROWS_PER_SUB = NG // 16


def _dot_nt(x, w):
    return lax.dot_general(x, w, (((1,), (1,)), ((), ())),
                           preferred_element_type=jnp.float32)


def _mlp_body(ns_ref, w1_ref, b1_ref, w2_ref, b2_ref, w3_ref, b3_ref, out_ref,
              z_ref):
    x = jnp.maximum(_dot_nt(ns_ref[...], w1_ref[...]) + b1_ref[...], 0.0)
    x = jnp.maximum(_dot_nt(x, w2_ref[...]) + b2_ref[...], 0.0)
    x = _dot_nt(x, w3_ref[...]) + b3_ref[...]
    out_ref[...] = x * (1.0 / (1.0 + jnp.exp(-x)))

    @pl.when(pl.program_id(0) == 0)
    def _():
        z_ref[...] = jnp.zeros_like(z_ref)


def _mlp(node_states, w1t, b1, w2t, b2, w3t, b3):
    grid = (N // TILE_N,)
    full = pl.BlockSpec((D, D), lambda i: (0, 0))
    bias = pl.BlockSpec((1, D), lambda i: (0, 0))
    return pl.pallas_call(
        _mlp_body,
        grid=grid,
        in_specs=[
            pl.BlockSpec((TILE_N, D), lambda i: (i, 0)),
            full, bias, full, bias, full, bias,
        ],

        out_specs=[pl.BlockSpec((TILE_N, D), lambda i: (i, 0)),
                   pl.BlockSpec((NG, D), lambda i: (0, 0))],
        out_shape=[jax.ShapeDtypeStruct((N, D), jnp.float32),
                   jax.ShapeDtypeStruct((NG, D), jnp.float32)],
        compiler_params=pltpu.CompilerParams(
            dimension_semantics=("parallel",)),
    )(node_states, w1t, b1, w2t, b2, w3t, b3)


def _sc_body(x_hbm, idx_hbm, zeros_hbm, out_hbm, xbuf0, xbuf1, xbuf2, xbuf3,
             xbuf4, xbuf5, idxs, obuf, acc, l0, l1, l2, l3, l4, l5,
             t0, t1, t2, t3, t4, t5):
    c = lax.axis_index("c")
    s = lax.axis_index("s")
    w = c * 16 + s
    base = w * ROWS_PER_W
    cbase = w * NCHUNK

    bufs = (xbuf0, xbuf1, xbuf2, xbuf3, xbuf4, xbuf5)
    lsems = (l0, l1, l2, l3, l4, l5)
    tsems = (t0, t1, t2, t3, t4, t5)

    pltpu.sync_copy(idx_hbm.at[pl.ds(cbase, NCHUNK)], idxs)
    pltpu.sync_copy(zeros_hbm.at[pl.ds(s * ROWS_PER_SUB, ROWS_PER_SUB)],
                    acc.at[pl.ds(s * ROWS_PER_SUB, ROWS_PER_SUB)])
    plsc.subcore_barrier()

    def load(k, buf, sem):
        pltpu.async_copy(x_hbm.at[pl.ds(base + k * CHUNK, CHUNK)], buf, sem)

    def wait_load(buf, sem):
        pltpu.make_async_copy(x_hbm.at[pl.ds(base, CHUNK)], buf, sem).wait()

    def scatter(a, buf, sem):
        pltpu.async_copy(buf, acc.at[idxs.at[a]], sem, add=True)

    def wait_scatter(buf, sem):
        pltpu.make_async_copy(buf, acc.at[idxs.at[0]], sem).wait()

    for i in range(6):
        load(i, bufs[i], lsems[i])
    for i in range(6):
        wait_load(bufs[i], lsems[i])
        scatter(i, bufs[i], tsems[i])

    def round_body(j, carry):
        a = 6 * j
        for i in range(6):
            wait_scatter(bufs[i], tsems[i])
            load(a + i, bufs[i], lsems[i])
        for i in range(6):
            wait_load(bufs[i], lsems[i])
            scatter(a + i, bufs[i], tsems[i])
        return carry

    lax.fori_loop(1, (NCHUNK - 1) // 6, round_body, 0)
    wait_scatter(xbuf0, t0)
    load(NCHUNK - 1, xbuf0, l0)
    wait_load(xbuf0, l0)
    scatter(NCHUNK - 1, xbuf0, t0)
    for i in range(6):
        wait_scatter(bufs[i], tsems[i])
    plsc.subcore_barrier()

    pltpu.sync_copy(acc.at[pl.ds(s * ROWS_PER_SUB, ROWS_PER_SUB)], obuf)
    pltpu.sync_copy(obuf, out_hbm.at[c, pl.ds(s * ROWS_PER_SUB, ROWS_PER_SUB)])


def _sc_segment_sum(x, idx2d, zeros):
    mesh = plsc.VectorSubcoreMesh(core_axis_name="c", subcore_axis_name="s")
    fn = functools.partial(
        pl.kernel,
        out_type=jax.ShapeDtypeStruct((2, NG, D), jnp.float32),
        mesh=mesh,
        scratch_types=(
            [pltpu.VMEM((CHUNK, D), jnp.float32)] * 6 + [
                pltpu.VMEM((NCHUNK, CHUNK), jnp.int32),
                pltpu.VMEM((ROWS_PER_SUB, D), jnp.float32),
                pltpu.VMEM_SHARED((NG, D), jnp.float32),
            ] + [pltpu.SemaphoreType.DMA] * 12
        ),
        compiler_params=pltpu.CompilerParams(use_tc_tiling_on_sc=False),
    )(_sc_body)
    return fn(x, idx2d, zeros)


def _combine_body(p_ref, o_ref):
    o_ref[...] = p_ref[0] + p_ref[1]


def _combine(partials):
    return pl.pallas_call(
        _combine_body,
        out_shape=jax.ShapeDtypeStruct((NG, D), jnp.float32),
    )(partials)


def kernel(node_states, graph_idx, W1, b1, W2, b2, W3, b3):
    idx2d = graph_idx.astype(jnp.int32).reshape(N // CHUNK, CHUNK)
    x, zeros = _mlp(node_states, W1, b1.reshape(1, D), W2, b2.reshape(1, D),
                    W3, b3.reshape(1, D))
    partials = _sc_segment_sum(x, idx2d, zeros)
    return _combine(partials)

# --- scband reference (transcript-rebuilt; emitter-appended) ---
"""Pipeline reference for scband-graph-aggregator-21440476742361 (READ-ONLY COPY).

The authoritative reference and input builder live on the scoring server;
editing this copy changes nothing except your own understanding.
"""

import jax, jax.numpy as jnp
import numpy as np

N = 100000
D = 128
H = 128
R = 128
NG = 1024

def setup_inputs(seed: int = 0) -> dict:
    key = jax.random.key(seed)
    ks = jax.random.split(key, 8)
    node_states = jax.random.normal(ks[0], (N, D), dtype=jnp.float32)
    graph_idx = jnp.sort(jax.random.randint(ks[1], (N,), 0, NG, dtype=jnp.int64))
    W1 = jax.random.normal(ks[2], (H, D), dtype=jnp.float32) * 0.05
    b1 = jnp.zeros((H,), dtype=jnp.float32)
    W2 = jax.random.normal(ks[3], (H, H), dtype=jnp.float32) * 0.05
    b2 = jnp.zeros((H,), dtype=jnp.float32)
    W3 = jax.random.normal(ks[4], (R, H), dtype=jnp.float32) * 0.05
    b3 = jnp.zeros((R,), dtype=jnp.float32)
    return {"node_states": node_states, "graph_idx": graph_idx, "W1": W1, "b1": b1, "W2": W2, "b2": b2, "W3": W3, "b3": b3}

def reference(node_states, graph_idx, W1, b1, W2, b2, W3, b3):
    # MLP (layer_num=3): Linear -> relu -> Linear -> relu -> Linear
    x = jax.nn.relu(node_states @ W1.T + b1)
    x = jax.nn.relu(x @ W2.T + b2)
    x = x @ W3.T + b3
    # gated: sigmoid(x) * x
    x = jax.nn.sigmoid(x) * x
    # scatter_add into per-graph representations
    n_graph = NG
    graph_repre = jax.ops.segment_sum(x, graph_idx, num_segments=n_graph)
    return graph_repre

if __name__ == "__main__":
    import jax
    _d = setup_inputs()
    print(jax.jit(kernel)(*tuple(_d.values())))

</pallas_src>

<mosaic_0001>
#map = affine_map<(d0, d1) -> (0, 0)>
#map1 = affine_map<(d0, d1) -> (0, 0, 0)>
module attributes {stable_mosaic.version = 14 : i64} {
  func.func @_sc_body(%arg0: i32, %arg1: i32, %arg2: memref<100000x128xf32, #tpu.memory_space<hbm>>, %arg3: memref<800x125xi32, #tpu.memory_space<hbm>>, %arg4: memref<1024x128xf32, #tpu.memory_space<hbm>>, %arg5: memref<2x1024x128xf32, #tpu.memory_space<hbm>>, %arg6: memref<125x128xf32, #tpu.memory_space<vmem>>, %arg7: memref<125x128xf32, #tpu.memory_space<vmem>>, %arg8: memref<125x128xf32, #tpu.memory_space<vmem>>, %arg9: memref<125x128xf32, #tpu.memory_space<vmem>>, %arg10: memref<125x128xf32, #tpu.memory_space<vmem>>, %arg11: memref<125x128xf32, #tpu.memory_space<vmem>>, %arg12: memref<25x125xi32, #tpu.memory_space<vmem>>, %arg13: memref<64x128xf32, #tpu.memory_space<vmem>>, %arg14: memref<1024x128xf32, #tpu.memory_space<vmem_shared>>, %arg15: memref<!tpu.dma_semaphore, #tpu.memory_space<semaphore_mem>>, %arg16: memref<!tpu.dma_semaphore, #tpu.memory_space<semaphore_mem>>, %arg17: memref<!tpu.dma_semaphore, #tpu.memory_space<semaphore_mem>>, %arg18: memref<!tpu.dma_semaphore, #tpu.memory_space<semaphore_mem>>, %arg19: memref<!tpu.dma_semaphore, #tpu.memory_space<semaphore_mem>>, %arg20: memref<!tpu.dma_semaphore, #tpu.memory_space<semaphore_mem>>, %arg21: memref<!tpu.dma_semaphore, #tpu.memory_space<semaphore_mem>>, %arg22: memref<!tpu.dma_semaphore, #tpu.memory_space<semaphore_mem>>, %arg23: memref<!tpu.dma_semaphore, #tpu.memory_space<semaphore_mem>>, %arg24: memref<!tpu.dma_semaphore, #tpu.memory_space<semaphore_mem>>, %arg25: memref<!tpu.dma_semaphore, #tpu.memory_space<semaphore_mem>>, %arg26: memref<!tpu.dma_semaphore, #tpu.memory_space<semaphore_mem>>) attributes {dimension_semantics = [#tpu.dimension_semantics<core_parallel>, #tpu.dimension_semantics<subcore_parallel>], iteration_bounds = array<i64: 2, 16>, scalar_prefetch = 0 : i64, scratch_operands = 21 : i64, tpu.core_type = #tpu.core_type<sc_vector_subcore>, window_params = [{transform_indices = #map}, {transform_indices = #map}, {transform_indices = #map}, {transform_indices = #map1}]} {
    %mul3A = arith.constant 16 : i32
    %mul3A_0 = arith.muli %arg0, %mul3A : i32
    %add3A = arith.addi %mul3A_0, %arg1 : i32
    %mul3A_1 = arith.constant 3125 : i32
    %mul3A_2 = arith.muli %add3A, %mul3A_1 : i32
    %mul3A_3 = arith.constant 25 : i32
    %mul3A_4 = arith.muli %add3A, %mul3A_3 : i32
    "tpu.region"() ({
      %run_scoped3A = tpu.sem_alloc : memref<!tpu.dma_semaphore, #tpu.memory_space<semaphore_mem>>
      %dma_start3A_185 = arith.constant 0 : i32
      %dma_start3A_186 = tpu.memref_slice %arg3[%mul3A_4, %dma_start3A_185] : memref<800x125xi32, #tpu.memory_space<hbm>> -> memref<25x125xi32, #tpu.memory_space<hbm>>
      %dma_start3A_187 = arith.constant 0 : i32
      %dma_start3A_188 = tpu.memref_slice %arg3[%mul3A_4, %dma_start3A_187] : memref<800x125xi32, #tpu.memory_space<hbm>> -> memref<25x125xi32, #tpu.memory_space<hbm>>
      tpu.enqueue_dma source(%dma_start3A_188 : memref<25x125xi32, #tpu.memory_space<hbm>>) target(%arg12 : memref<25x125xi32, #tpu.memory_space<vmem>>) target_semaphore(%run_scoped3A : memref<!tpu.dma_semaphore, #tpu.memory_space<semaphore_mem>>)
      %dma_wait3A_189 = arith.constant 0 : i32
      %dma_wait3A_190 = tpu.memref_slice %arg3[%mul3A_4, %dma_wait3A_189] : memref<800x125xi32, #tpu.memory_space<hbm>> -> memref<25x125xi32, #tpu.memory_space<hbm>>
      %dma_wait3A_191 = arith.constant 0 : i32
      %dma_wait3A_192 = tpu.memref_slice %arg3[%mul3A_4, %dma_wait3A_191] : memref<800x125xi32, #tpu.memory_space<hbm>> -> memref<25x125xi32, #tpu.memory_space<hbm>>
      tpu.wait_dma2 semaphore(%run_scoped3A : memref<!tpu.dma_semaphore, #tpu.memory_space<semaphore_mem>>) src(%dma_wait3A_192 : memref<25x125xi32, #tpu.memory_space<hbm>>) dst(%arg12 : memref<25x125xi32, #tpu.memory_space<vmem>>)
      tpu.yield
    }) : () -> ()
    %mul3A_5 = arith.constant 64 : i32
    %mul3A_6 = arith.muli %arg1, %mul3A_5 : i32
    %mul3A_7 = arith.constant 64 : i32
    %mul3A_8 = arith.muli %arg1, %mul3A_7 : i32
    "tpu.region"() ({
      %run_scoped3A = tpu.sem_alloc : memref<!tpu.dma_semaphore, #tpu.memory_space<semaphore_mem>>
      %dma_start3A_185 = arith.constant 0 : i32
      %dma_start3A_186 = tpu.memref_slice %arg14[%mul3A_8, %dma_start3A_185] : memref<1024x128xf32, #tpu.memory_space<vmem_shared>> -> memref<64x128xf32, #tpu.memory_space<vmem_shared>>
      %dma_start3A_187 = arith.constant 0 : i32
      %dma_start3A_188 = tpu.memref_slice %arg4[%mul3A_6, %dma_start3A_187] : memref<1024x128xf32, #tpu.memory_space<hbm>> -> memref<64x128xf32, #tpu.memory_space<hbm>>
      tpu.enqueue_dma source(%dma_start3A_188 : memref<64x128xf32, #tpu.memory_space<hbm>>) target(%dma_start3A_186 : memref<64x128xf32, #tpu.memory_space<vmem_shared>>) target_semaphore(%run_scoped3A : memref<!tpu.dma_semaphore, #tpu.memory_space<semaphore_mem>>)
      %dma_wait3A_189 = arith.constant 0 : i32
      %dma_wait3A_190 = tpu.memref_slice %arg14[%mul3A_8, %dma_wait3A_189] : memref<1024x128xf32, #tpu.memory_space<vmem_shared>> -> memref<64x128xf32, #tpu.memory_space<vmem_shared>>
      %dma_wait3A_191 = arith.constant 0 : i32
      %dma_wait3A_192 = tpu.memref_slice %arg4[%mul3A_6, %dma_wait3A_191] : memref<1024x128xf32, #tpu.memory_space<hbm>> -> memref<64x128xf32, #tpu.memory_space<hbm>>
      tpu.wait_dma2 semaphore(%run_scoped3A : memref<!tpu.dma_semaphore, #tpu.memory_space<semaphore_mem>>) src(%dma_wait3A_192 : memref<64x128xf32, #tpu.memory_space<hbm>>) dst(%dma_wait3A_190 : memref<64x128xf32, #tpu.memory_space<vmem_shared>>)
      tpu.yield
    }) : () -> ()
    %barrier3A = arith.constant 0 : index
    tpu.barrier barrier_id(%barrier3A)
    %add3A_9 = arith.constant 0 : i32
    %add3A_10 = arith.addi %mul3A_2, %add3A_9 : i32
    %dma_start3A = arith.constant 0 : i32
    %dma_start3A_11 = tpu.memref_slice %arg2[%add3A_10, %dma_start3A] : memref<100000x128xf32, #tpu.memory_space<hbm>> -> memref<125x128xf32, #tpu.memory_space<hbm>>
    %dma_start3A_12 = arith.constant 0 : i32
    %dma_start3A_13 = tpu.memref_slice %arg2[%add3A_10, %dma_start3A_12] : memref<100000x128xf32, #tpu.memory_space<hbm>> -> memref<125x128xf32, #tpu.memory_space<hbm>>
    tpu.enqueue_dma source(%dma_start3A_13 : memref<125x128xf32, #tpu.memory_space<hbm>>) target(%arg6 : memref<125x128xf32, #tpu.memory_space<vmem>>) target_semaphore(%arg15 : memref<!tpu.dma_semaphore, #tpu.memory_space<semaphore_mem>>)
    %add3A_14 = arith.constant 125 : i32
    %add3A_15 = arith.addi %mul3A_2, %add3A_14 : i32
    %dma_start3A_16 = arith.constant 0 : i32
    %dma_start3A_17 = tpu.memref_slice %arg2[%add3A_15, %dma_start3A_16] : memref<100000x128xf32, #tpu.memory_space<hbm>> -> memref<125x128xf32, #tpu.memory_space<hbm>>
    %dma_start3A_18 = arith.constant 0 : i32
    %dma_start3A_19 = tpu.memref_slice %arg2[%add3A_15, %dma_start3A_18] : memref<100000x128xf32, #tpu.memory_space<hbm>> -> memref<125x128xf32, #tpu.memory_space<hbm>>
    tpu.enqueue_dma source(%dma_start3A_19 : memref<125x128xf32, #tpu.memory_space<hbm>>) target(%arg7 : memref<125x128xf32, #tpu.memory_space<vmem>>) target_semaphore(%arg16 : memref<!tpu.dma_semaphore, #tpu.memory_space<semaphore_mem>>)
    %add3A_20 = arith.constant 250 : i32
    %add3A_21 = arith.addi %mul3A_2, %add3A_20 : i32
    %dma_start3A_22 = arith.constant 0 : i32
    %dma_start3A_23 = tpu.memref_slice %arg2[%add3A_21, %dma_start3A_22] : memref<100000x128xf32, #tpu.memory_space<hbm>> -> memref<125x128xf32, #tpu.memory_space<hbm>>
    %dma_start3A_24 = arith.constant 0 : i32
    %dma_start3A_25 = tpu.memref_slice %arg2[%add3A_21, %dma_start3A_24] : memref<100000x128xf32, #tpu.memory_space<hbm>> -> memref<125x128xf32, #tpu.memory_space<hbm>>
    tpu.enqueue_dma source(%dma_start3A_25 : memref<125x128xf32, #tpu.memory_space<hbm>>) target(%arg8 : memref<125x128xf32, #tpu.memory_space<vmem>>) target_semaphore(%arg17 : memref<!tpu.dma_semaphore, #tpu.memory_space<semaphore_mem>>)
    %add3A_26 = arith.constant 375 : i32
    %add3A_27 = arith.addi %mul3A_2, %add3A_26 : i32
    %dma_start3A_28 = arith.constant 0 : i32
    %dma_start3A_29 = tpu.memref_slice %arg2[%add3A_27, %dma_start3A_28] : memref<100000x128xf32, #tpu.memory_space<hbm>> -> memref<125x128xf32, #tpu.memory_space<hbm>>
    %dma_start3A_30 = arith.constant 0 : i32
    %dma_start3A_31 = tpu.memref_slice %arg2[%add3A_27, %dma_start3A_30] : memref<100000x128xf32, #tpu.memory_space<hbm>> -> memref<125x128xf32, #tpu.memory_space<hbm>>
    tpu.enqueue_dma source(%dma_start3A_31 : memref<125x128xf32, #tpu.memory_space<hbm>>) target(%arg9 : memref<125x128xf32, #tpu.memory_space<vmem>>) target_semaphore(%arg18 : memref<!tpu.dma_semaphore, #tpu.memory_space<semaphore_mem>>)
    %add3A_32 = arith.constant 500 : i32
    %add3A_33 = arith.addi %mul3A_2, %add3A_32 : i32
    %dma_start3A_34 = arith.constant 0 : i32
    %dma_start3A_35 = tpu.memref_slice %arg2[%add3A_33, %dma_start3A_34] : memref<100000x128xf32, #tpu.memory_space<hbm>> -> memref<125x128xf32, #tpu.memory_space<hbm>>
    %dma_start3A_36 = arith.constant 0 : i32
    %dma_start3A_37 = tpu.memref_slice %arg2[%add3A_33, %dma_start3A_36] : memref<100000x128xf32, #tpu.memory_space<hbm>> -> memref<125x128xf32, #tpu.memory_space<hbm>>
    tpu.enqueue_dma source(%dma_start3A_37 : memref<125x128xf32, #tpu.memory_space<hbm>>) target(%arg10 : memref<125x128xf32, #tpu.memory_space<vmem>>) target_semaphore(%arg19 : memref<!tpu.dma_semaphore, #tpu.memory_space<semaphore_mem>>)
    %add3A_38 = arith.constant 625 : i32
    %add3A_39 = arith.addi %mul3A_2, %add3A_38 : i32
    %dma_start3A_40 = arith.constant 0 : i32
    %dma_start3A_41 = tpu.memref_slice %arg2[%add3A_39, %dma_start3A_40] : memref<100000x128xf32, #tpu.memory_space<hbm>> -> memref<125x128xf32, #tpu.memory_space<hbm>>
    %dma_start3A_42 = arith.constant 0 : i32
    %dma_start3A_43 = tpu.memref_slice %arg2[%add3A_39, %dma_start3A_42] : memref<100000x128xf32, #tpu.memory_space<hbm>> -> memref<125x128xf32, #tpu.memory_space<hbm>>
    tpu.enqueue_dma source(%dma_start3A_43 : memref<125x128xf32, #tpu.memory_space<hbm>>) target(%arg11 : memref<125x128xf32, #tpu.memory_space<vmem>>) target_semaphore(%arg20 : memref<!tpu.dma_semaphore, #tpu.memory_space<semaphore_mem>>)
    %dma_wait3A = arith.constant 0 : i32
    %dma_wait3A_44 = tpu.memref_slice %arg2[%mul3A_2, %dma_wait3A] : memref<100000x128xf32, #tpu.memory_space<hbm>> -> memref<125x128xf32, #tpu.memory_space<hbm>>
    %dma_wait3A_45 = arith.constant 0 : i32
    %dma_wait3A_46 = tpu.memref_slice %arg2[%mul3A_2, %dma_wait3A_45] : memref<100000x128xf32, #tpu.memory_space<hbm>> -> memref<125x128xf32, #tpu.memory_space<hbm>>
    tpu.wait_dma2 semaphore(%arg15 : memref<!tpu.dma_semaphore, #tpu.memory_space<semaphore_mem>>) src(%dma_wait3A_46 : memref<125x128xf32, #tpu.memory_space<hbm>>) dst(%arg6 : memref<125x128xf32, #tpu.memory_space<vmem>>)
    %dma_start3A_47 = arith.constant 0 : i32
    %dma_start3A_48 = arith.constant 0 : i32
    %dma_start3A_49 = tpu.memref_slice %arg12[%dma_start3A_47, %dma_start3A_48] : memref<25x125xi32, #tpu.memory_space<vmem>> -> memref<1x125xi32, #tpu.memory_space<vmem>>
    %dma_start3A_50 = tpu.memref_squeeze %dma_start3A_49 : memref<1x125xi32, #tpu.memory_space<vmem>> -> memref<125xi32, #tpu.memory_space<vmem>>
    %dma_start3A_51 = arith.constant 0 : i32
    %dma_start3A_52 = arith.constant 0 : i32
    %dma_start3A_53 = tpu.memref_slice %arg14[%dma_start3A_51, %dma_start3A_52] : memref<1024x128xf32, #tpu.memory_space<vmem_shared>> -> memref<1024x128xf32, #tpu.memory_space<vmem_shared>>
    tpu.enqueue_indirect_dma source(%arg6 : memref<125x128xf32, #tpu.memory_space<vmem>>) target(%dma_start3A_53 : memref<1024x128xf32, #tpu.memory_space<vmem_shared>>) offsets(%dma_start3A_50 : memref<125xi32, #tpu.memory_space<vmem>>) semaphore(%arg21 : memref<!tpu.dma_semaphore, #tpu.memory_space<semaphore_mem>>) {add = true}
    %dma_wait3A_54 = arith.constant 0 : i32
    %dma_wait3A_55 = tpu.memref_slice %arg2[%mul3A_2, %dma_wait3A_54] : memref<100000x128xf32, #tpu.memory_space<hbm>> -> memref<125x128xf32, #tpu.memory_space<hbm>>
    %dma_wait3A_56 = arith.constant 0 : i32
    %dma_wait3A_57 = tpu.memref_slice %arg2[%mul3A_2, %dma_wait3A_56] : memref<100000x128xf32, #tpu.memory_space<hbm>> -> memref<125x128xf32, #tpu.memory_space<hbm>>
    tpu.wait_dma2 semaphore(%arg16 : memref<!tpu.dma_semaphore, #tpu.memory_space<semaphore_mem>>) src(%dma_wait3A_57 : memref<125x128xf32, #tpu.memory_space<hbm>>) dst(%arg7 : memref<125x128xf32, #tpu.memory_space<vmem>>)
    %dma_start3A_58 = arith.constant 1 : i32
    %dma_start3A_59 = arith.constant 0 : i32
    %dma_start3A_60 = tpu.memref_slice %arg12[%dma_start3A_58, %dma_start3A_59] : memref<25x125xi32, #tpu.memory_space<vmem>> -> memref<1x125xi32, #tpu.memory_space<vmem>>
    %dma_start3A_61 = tpu.memref_squeeze %dma_start3A_60 : memref<1x125xi32, #tpu.memory_space<vmem>> -> memref<125xi32, #tpu.memory_space<vmem>>
    %dma_start3A_62 = arith.constant 0 : i32
    %dma_start3A_63 = arith.constant 0 : i32
    %dma_start3A_64 = tpu.memref_slice %arg14[%dma_start3A_62, %dma_start3A_63] : memref<1024x128xf32, #tpu.memory_space<vmem_shared>> -> memref<1024x128xf32, #tpu.memory_space<vmem_shared>>
    tpu.enqueue_indirect_dma source(%arg7 : memref<125x128xf32, #tpu.memory_space<vmem>>) target(%dma_start3A_64 : memref<1024x128xf32, #tpu.memory_space<vmem_shared>>) offsets(%dma_start3A_61 : memref<125xi32, #tpu.memory_space<vmem>>) semaphore(%arg22 : memref<!tpu.dma_semaphore, #tpu.memory_space<semaphore_mem>>) {add = true}
    %dma_wait3A_65 = arith.constant 0 : i32
    %dma_wait3A_66 = tpu.memref_slice %arg2[%mul3A_2, %dma_wait3A_65] : memref<100000x128xf32, #tpu.memory_space<hbm>> -> memref<125x128xf32, #tpu.memory_space<hbm>>
    %dma_wait3A_67 = arith.constant 0 : i32
    %dma_wait3A_68 = tpu.memref_slice %arg2[%mul3A_2, %dma_wait3A_67] : memref<100000x128xf32, #tpu.memory_space<hbm>> -> memref<125x128xf32, #tpu.memory_space<hbm>>
    tpu.wait_dma2 semaphore(%arg17 : memref<!tpu.dma_semaphore, #tpu.memory_space<semaphore_mem>>) src(%dma_wait3A_68 : memref<125x128xf32, #tpu.memory_space<hbm>>) dst(%arg8 : memref<125x128xf32, #tpu.memory_space<vmem>>)
    %dma_start3A_69 = arith.constant 2 : i32
    %dma_start3A_70 = arith.constant 0 : i32
    %dma_start3A_71 = tpu.memref_slice %arg12[%dma_start3A_69, %dma_start3A_70] : memref<25x125xi32, #tpu.memory_space<vmem>> -> memref<1x125xi32, #tpu.memory_space<vmem>>
    %dma_start3A_72 = tpu.memref_squeeze %dma_start3A_71 : memref<1x125xi32, #tpu.memory_space<vmem>> -> memref<125xi32, #tpu.memory_space<vmem>>
    %dma_start3A_73 = arith.constant 0 : i32
    %dma_start3A_74 = arith.constant 0 : i32
    %dma_start3A_75 = tpu.memref_slice %arg14[%dma_start3A_73, %dma_start3A_74] : memref<1024x128xf32, #tpu.memory_space<vmem_shared>> -> memref<1024x128xf32, #tpu.memory_space<vmem_shared>>
    tpu.enqueue_indirect_dma source(%arg8 : memref<125x128xf32, #tpu.memory_space<vmem>>) target(%dma_start3A_75 : memref<1024x128xf32, #tpu.memory_space<vmem_shared>>) offsets(%dma_start3A_72 : memref<125xi32, #tpu.memory_space<vmem>>) semaphore(%arg23 : memref<!tpu.dma_semaphore, #tpu.memory_space<semaphore_mem>>) {add = true}
    %dma_wait3A_76 = arith.constant 0 : i32
    %dma_wait3A_77 = tpu.memref_slice %arg2[%mul3A_2, %dma_wait3A_76] : memref<100000x128xf32, #tpu.memory_space<hbm>> -> memref<125x128xf32, #tpu.memory_space<hbm>>
    %dma_wait3A_78 = arith.constant 0 : i32
    %dma_wait3A_79 = tpu.memref_slice %arg2[%mul3A_2, %dma_wait3A_78] : memref<100000x128xf32, #tpu.memory_space<hbm>> -> memref<125x128xf32, #tpu.memory_space<hbm>>
    tpu.wait_dma2 semaphore(%arg18 : memref<!tpu.dma_semaphore, #tpu.memory_space<semaphore_mem>>) src(%dma_wait3A_79 : memref<125x128xf32, #tpu.memory_space<hbm>>) dst(%arg9 : memref<125x128xf32, #tpu.memory_space<vmem>>)
    %dma_start3A_80 = arith.constant 3 : i32
    %dma_start3A_81 = arith.constant 0 : i32
    %dma_start3A_82 = tpu.memref_slice %arg12[%dma_start3A_80, %dma_start3A_81] : memref<25x125xi32, #tpu.memory_space<vmem>> -> memref<1x125xi32, #tpu.memory_space<vmem>>
    %dma_start3A_83 = tpu.memref_squeeze %dma_start3A_82 : memref<1x125xi32, #tpu.memory_space<vmem>> -> memref<125xi32, #tpu.memory_space<vmem>>
    %dma_start3A_84 = arith.constant 0 : i32
    %dma_start3A_85 = arith.constant 0 : i32
    %dma_start3A_86 = tpu.memref_slice %arg14[%dma_start3A_84, %dma_start3A_85] : memref<1024x128xf32, #tpu.memory_space<vmem_shared>> -> memref<1024x128xf32, #tpu.memory_space<vmem_shared>>
    tpu.enqueue_indirect_dma source(%arg9 : memref<125x128xf32, #tpu.memory_space<vmem>>) target(%dma_start3A_86 : memref<1024x128xf32, #tpu.memory_space<vmem_shared>>) offsets(%dma_start3A_83 : memref<125xi32, #tpu.memory_space<vmem>>) semaphore(%arg24 : memref<!tpu.dma_semaphore, #tpu.memory_space<semaphore_mem>>) {add = true}
    %dma_wait3A_87 = arith.constant 0 : i32
    %dma_wait3A_88 = tpu.memref_slice %arg2[%mul3A_2, %dma_wait3A_87] : memref<100000x128xf32, #tpu.memory_space<hbm>> -> memref<125x128xf32, #tpu.memory_space<hbm>>
    %dma_wait3A_89 = arith.constant 0 : i32
    %dma_wait3A_90 = tpu.memref_slice %arg2[%mul3A_2, %dma_wait3A_89] : memref<100000x128xf32, #tpu.memory_space<hbm>> -> memref<125x128xf32, #tpu.memory_space<hbm>>
    tpu.wait_dma2 semaphore(%arg19 : memref<!tpu.dma_semaphore, #tpu.memory_space<semaphore_mem>>) src(%dma_wait3A_90 : memref<125x128xf32, #tpu.memory_space<hbm>>) dst(%arg10 : memref<125x128xf32, #tpu.memory_space<vmem>>)
    %dma_start3A_91 = arith.constant 4 : i32
    %dma_start3A_92 = arith.constant 0 : i32
    %dma_start3A_93 = tpu.memref_slice %arg12[%dma_start3A_91, %dma_start3A_92] : memref<25x125xi32, #tpu.memory_space<vmem>> -> memref<1x125xi32, #tpu.memory_space<vmem>>
    %dma_start3A_94 = tpu.memref_squeeze %dma_start3A_93 : memref<1x125xi32, #tpu.memory_space<vmem>> -> memref<125xi32, #tpu.memory_space<vmem>>
    %dma_start3A_95 = arith.constant 0 : i32
    %dma_start3A_96 = arith.constant 0 : i32
    %dma_start3A_97 = tpu.memref_slice %arg14[%dma_start3A_95, %dma_start3A_96] : memref<1024x128xf32, #tpu.memory_space<vmem_shared>> -> memref<1024x128xf32, #tpu.memory_space<vmem_shared>>
    tpu.enqueue_indirect_dma source(%arg10 : memref<125x128xf32, #tpu.memory_space<vmem>>) target(%dma_start3A_97 : memref<1024x128xf32, #tpu.memory_space<vmem_shared>>) offsets(%dma_start3A_94 : memref<125xi32, #tpu.memory_space<vmem>>) semaphore(%arg25 : memref<!tpu.dma_semaphore, #tpu.memory_space<semaphore_mem>>) {add = true}
    %dma_wait3A_98 = arith.constant 0 : i32
    %dma_wait3A_99 = tpu.memref_slice %arg2[%mul3A_2, %dma_wait3A_98] : memref<100000x128xf32, #tpu.memory_space<hbm>> -> memref<125x128xf32, #tpu.memory_space<hbm>>
    %dma_wait3A_100 = arith.constant 0 : i32
    %dma_wait3A_101 = tpu.memref_slice %arg2[%mul3A_2, %dma_wait3A_100] : memref<100000x128xf32, #tpu.memory_space<hbm>> -> memref<125x128xf32, #tpu.memory_space<hbm>>
    tpu.wait_dma2 semaphore(%arg20 : memref<!tpu.dma_semaphore, #tpu.memory_space<semaphore_mem>>) src(%dma_wait3A_101 : memref<125x128xf32, #tpu.memory_space<hbm>>) dst(%arg11 : memref<125x128xf32, #tpu.memory_space<vmem>>)
    %dma_start3A_102 = arith.constant 5 : i32
    %dma_start3A_103 = arith.constant 0 : i32
    %dma_start3A_104 = tpu.memref_slice %arg12[%dma_start3A_102, %dma_start3A_103] : memref<25x125xi32, #tpu.memory_space<vmem>> -> memref<1x125xi32, #tpu.memory_space<vmem>>
    %dma_start3A_105 = tpu.memref_squeeze %dma_start3A_104 : memref<1x125xi32, #tpu.memory_space<vmem>> -> memref<125xi32, #tpu.memory_space<vmem>>
    %dma_start3A_106 = arith.constant 0 : i32
    %dma_start3A_107 = arith.constant 0 : i32
    %dma_start3A_108 = tpu.memref_slice %arg14[%dma_start3A_106, %dma_start3A_107] : memref<1024x128xf32, #tpu.memory_space<vmem_shared>> -> memref<1024x128xf32, #tpu.memory_space<vmem_shared>>
    tpu.enqueue_indirect_dma source(%arg11 : memref<125x128xf32, #tpu.memory_space<vmem>>) target(%dma_start3A_108 : memref<1024x128xf32, #tpu.memory_space<vmem_shared>>) offsets(%dma_start3A_105 : memref<125xi32, #tpu.memory_space<vmem>>) semaphore(%arg26 : memref<!tpu.dma_semaphore, #tpu.memory_space<semaphore_mem>>) {add = true}
    %scan3A = arith.constant 0 : i32
    %scan3A_109 = arith.constant 1 : i32
    %scan3A_110 = arith.constant 3 : i32
    %scan3A_111 = arith.addi %scan3A_109, %scan3A_110 : i32
    %scan3A_112 = arith.constant 1 : i32
    scf.for %scan3A_185 = %scan3A_109 to %scan3A_111 step %scan3A_112  : i32 {
      %mul3A_186 = arith.constant 6 : i32
      %mul3A_187 = arith.muli %mul3A_186, %scan3A_185 : i32
      %dma_wait3A_188 = arith.constant 0 : i32
      %dma_wait3A_189 = arith.constant 0 : i32
      %dma_wait3A_190 = tpu.memref_slice %arg12[%dma_wait3A_188, %dma_wait3A_189] : memref<25x125xi32, #tpu.memory_space<vmem>> -> memref<1x125xi32, #tpu.memory_space<vmem>>
      %dma_wait3A_191 = tpu.memref_squeeze %dma_wait3A_190 : memref<1x125xi32, #tpu.memory_space<vmem>> -> memref<125xi32, #tpu.memory_space<vmem>>
      %dma_wait3A_192 = arith.constant 0 : i32
      %dma_wait3A_193 = arith.constant 0 : i32
      %dma_wait3A_194 = tpu.memref_slice %arg14[%dma_wait3A_192, %dma_wait3A_193] : memref<1024x128xf32, #tpu.memory_space<vmem_shared>> -> memref<1024x128xf32, #tpu.memory_space<vmem_shared>>
      tpu.wait_indirect_dma semaphore(%arg21 : memref<!tpu.dma_semaphore, #tpu.memory_space<semaphore_mem>>) src(%arg6 : memref<125x128xf32, #tpu.memory_space<vmem>>) dst(%dma_wait3A_194 : memref<1024x128xf32, #tpu.memory_space<vmem_shared>>)
      %add3A_195 = arith.constant 0 : i32
      %add3A_196 = arith.addi %mul3A_187, %add3A_195 : i32
      %mul3A_197 = arith.constant 125 : i32
      %mul3A_198 = arith.muli %add3A_196, %mul3A_197 : i32
      %add3A_199 = arith.addi %mul3A_2, %mul3A_198 : i32
      %dma_start3A_200 = arith.constant 0 : i32
      %dma_start3A_201 = tpu.memref_slice %arg2[%add3A_199, %dma_start3A_200] : memref<100000x128xf32, #tpu.memory_space<hbm>> -> memref<125x128xf32, #tpu.memory_space<hbm>>
      %dma_start3A_202 = arith.constant 0 : i32
      %dma_start3A_203 = tpu.memref_slice %arg2[%add3A_199, %dma_start3A_202] : memref<100000x128xf32, #tpu.memory_space<hbm>> -> memref<125x128xf32, #tpu.memory_space<hbm>>
      tpu.enqueue_dma source(%dma_start3A_203 : memref<125x128xf32, #tpu.memory_space<hbm>>) target(%arg6 : memref<125x128xf32, #tpu.memory_space<vmem>>) target_semaphore(%arg15 : memref<!tpu.dma_semaphore, #tpu.memory_space<semaphore_mem>>)
      %dma_wait3A_204 = arith.constant 0 : i32
      %dma_wait3A_205 = arith.constant 0 : i32
      %dma_wait3A_206 = tpu.memref_slice %arg12[%dma_wait3A_204, %dma_wait3A_205] : memref<25x125xi32, #tpu.memory_space<vmem>> -> memref<1x125xi32, #tpu.memory_space<vmem>>
      %dma_wait3A_207 = tpu.memref_squeeze %dma_wait3A_206 : memref<1x125xi32, #tpu.memory_space<vmem>> -> memref<125xi32, #tpu.memory_space<vmem>>
      %dma_wait3A_208 = arith.constant 0 : i32
      %dma_wait3A_209 = arith.constant 0 : i32
      %dma_wait3A_210 = tpu.memref_slice %arg14[%dma_wait3A_208, %dma_wait3A_209] : memref<1024x128xf32, #tpu.memory_space<vmem_shared>> -> memref<1024x128xf32, #tpu.memory_space<vmem_shared>>
      tpu.wait_indirect_dma semaphore(%arg22 : memref<!tpu.dma_semaphore, #tpu.memory_space<semaphore_mem>>) src(%arg7 : memref<125x128xf32, #tpu.memory_space<vmem>>) dst(%dma_wait3A_210 : memref<1024x128xf32, #tpu.memory_space<vmem_shared>>)
      %add3A_211 = arith.constant 1 : i32
      %add3A_212 = arith.addi %mul3A_187, %add3A_211 : i32
      %mul3A_213 = arith.constant 125 : i32
      %mul3A_214 = arith.muli %add3A_212, %mul3A_213 : i32
      %add3A_215 = arith.addi %mul3A_2, %mul3A_214 : i32
      %dma_start3A_216 = arith.constant 0 : i32
      %dma_start3A_217 = tpu.memref_slice %arg2[%add3A_215, %dma_start3A_216] : memref<100000x128xf32, #tpu.memory_space<hbm>> -> memref<125x128xf32, #tpu.memory_space<hbm>>
      %dma_start3A_218 = arith.constant 0 : i32
      %dma_start3A_219 = tpu.memref_slice %arg2[%add3A_215, %dma_start3A_218] : memref<100000x128xf32, #tpu.memory_space<hbm>> -> memref<125x128xf32, #tpu.memory_space<hbm>>
      tpu.enqueue_dma source(%dma_start3A_219 : memref<125x128xf32, #tpu.memory_space<hbm>>) target(%arg7 : memref<125x128xf32, #tpu.memory_space<vmem>>) target_semaphore(%arg16 : memref<!tpu.dma_semaphore, #tpu.memory_space<semaphore_mem>>)
      %dma_wait3A_220 = arith.constant 0 : i32
      %dma_wait3A_221 = arith.constant 0 : i32
      %dma_wait3A_222 = tpu.memref_slice %arg12[%dma_wait3A_220, %dma_wait3A_221] : memref<25x125xi32, #tpu.memory_space<vmem>> -> memref<1x125xi32, #tpu.memory_space<vmem>>
      %dma_wait3A_223 = tpu.memref_squeeze %dma_wait3A_222 : memref<1x125xi32, #tpu.memory_space<vmem>> -> memref<125xi32, #tpu.memory_space<vmem>>
      %dma_wait3A_224 = arith.constant 0 : i32
      %dma_wait3A_225 = arith.constant 0 : i32
      %dma_wait3A_226 = tpu.memref_slice %arg14[%dma_wait3A_224, %dma_wait3A_225] : memref<1024x128xf32, #tpu.memory_space<vmem_shared>> -> memref<1024x128xf32, #tpu.memory_space<vmem_shared>>
      tpu.wait_indirect_dma semaphore(%arg23 : memref<!tpu.dma_semaphore, #tpu.memory_space<semaphore_mem>>) src(%arg8 : memref<125x128xf32, #tpu.memory_space<vmem>>) dst(%dma_wait3A_226 : memref<1024x128xf32, #tpu.memory_space<vmem_shared>>)
      %add3A_227 = arith.constant 2 : i32
      %add3A_228 = arith.addi %mul3A_187, %add3A_227 : i32
      %mul3A_229 = arith.constant 125 : i32
      %mul3A_230 = arith.muli %add3A_228, %mul3A_229 : i32
      %add3A_231 = arith.addi %mul3A_2, %mul3A_230 : i32
      %dma_start3A_232 = arith.constant 0 : i32
      %dma_start3A_233 = tpu.memref_slice %arg2[%add3A_231, %dma_start3A_232] : memref<100000x128xf32, #tpu.memory_space<hbm>> -> memref<125x128xf32, #tpu.memory_space<hbm>>
      %dma_start3A_234 = arith.constant 0 : i32
      %dma_start3A_235 = tpu.memref_slice %arg2[%add3A_231, %dma_start3A_234] : memref<100000x128xf32, #tpu.memory_space<hbm>> -> memref<125x128xf32, #tpu.memory_space<hbm>>
      tpu.enqueue_dma source(%dma_start3A_235 : memref<125x128xf32, #tpu.memory_space<hbm>>) target(%arg8 : memref<125x128xf32, #tpu.memory_space<vmem>>) target_semaphore(%arg17 : memref<!tpu.dma_semaphore, #tpu.memory_space<semaphore_mem>>)
      %dma_wait3A_236 = arith.constant 0 : i32
      %dma_wait3A_237 = arith.constant 0 : i32
      %dma_wait3A_238 = tpu.memref_slice %arg12[%dma_wait3A_236, %dma_wait3A_237] : memref<25x125xi32, #tpu.memory_space<vmem>> -> memref<1x125xi32, #tpu.memory_space<vmem>>
      %dma_wait3A_239 = tpu.memref_squeeze %dma_wait3A_238 : memref<1x125xi32, #tpu.memory_space<vmem>> -> memref<125xi32, #tpu.memory_space<vmem>>
      %dma_wait3A_240 = arith.constant 0 : i32
      %dma_wait3A_241 = arith.constant 0 : i32
      %dma_wait3A_242 = tpu.memref_slice %arg14[%dma_wait3A_240, %dma_wait3A_241] : memref<1024x128xf32, #tpu.memory_space<vmem_shared>> -> memref<1024x128xf32, #tpu.memory_space<vmem_shared>>
      tpu.wait_indirect_dma semaphore(%arg24 : memref<!tpu.dma_semaphore, #tpu.memory_space<semaphore_mem>>) src(%arg9 : memref<125x128xf32, #tpu.memory_space<vmem>>) dst(%dma_wait3A_242 : memref<1024x128xf32, #tpu.memory_space<vmem_shared>>)
      %add3A_243 = arith.constant 3 : i32
      %add3A_244 = arith.addi %mul3A_187, %add3A_243 : i32
      %mul3A_245 = arith.constant 125 : i32
      %mul3A_246 = arith.muli %add3A_244, %mul3A_245 : i32
      %add3A_247 = arith.addi %mul3A_2, %mul3A_246 : i32
      %dma_start3A_248 = arith.constant 0 : i32
      %dma_start3A_249 = tpu.memref_slice %arg2[%add3A_247, %dma_start3A_248] : memref<100000x128xf32, #tpu.memory_space<hbm>> -> memref<125x128xf32, #tpu.memory_space<hbm>>
      %dma_start3A_250 = arith.constant 0 : i32
      %dma_start3A_251 = tpu.memref_slice %arg2[%add3A_247, %dma_start3A_250] : memref<100000x128xf32, #tpu.memory_space<hbm>> -> memref<125x128xf32, #tpu.memory_space<hbm>>
      tpu.enqueue_dma source(%dma_start3A_251 : memref<125x128xf32, #tpu.memory_space<hbm>>) target(%arg9 : memref<125x128xf32, #tpu.memory_space<vmem>>) target_semaphore(%arg18 : memref<!tpu.dma_semaphore, #tpu.memory_space<semaphore_mem>>)
      %dma_wait3A_252 = arith.constant 0 : i32
      %dma_wait3A_253 = arith.constant 0 : i32
      %dma_wait3A_254 = tpu.memref_slice %arg12[%dma_wait3A_252, %dma_wait3A_253] : memref<25x125xi32, #tpu.memory_space<vmem>> -> memref<1x125xi32, #tpu.memory_space<vmem>>
      %dma_wait3A_255 = tpu.memref_squeeze %dma_wait3A_254 : memref<1x125xi32, #tpu.memory_space<vmem>> -> memref<125xi32, #tpu.memory_space<vmem>>
      %dma_wait3A_256 = arith.constant 0 : i32
      %dma_wait3A_257 = arith.constant 0 : i32
      %dma_wait3A_258 = tpu.memref_slice %arg14[%dma_wait3A_256, %dma_wait3A_257] : memref<1024x128xf32, #tpu.memory_space<vmem_shared>> -> memref<1024x128xf32, #tpu.memory_space<vmem_shared>>
      tpu.wait_indirect_dma semaphore(%arg25 : memref<!tpu.dma_semaphore, #tpu.memory_space<semaphore_mem>>) src(%arg10 : memref<125x128xf32, #tpu.memory_space<vmem>>) dst(%dma_wait3A_258 : memref<1024x128xf32, #tpu.memory_space<vmem_shared>>)
      %add3A_259 = arith.constant 4 : i32
      %add3A_260 = arith.addi %mul3A_187, %add3A_259 : i32
      %mul3A_261 = arith.constant 125 : i32
      %mul3A_262 = arith.muli %add3A_260, %mul3A_261 : i32
      %add3A_263 = arith.addi %mul3A_2, %mul3A_262 : i32
      %dma_start3A_264 = arith.constant 0 : i32
      %dma_start3A_265 = tpu.memref_slice %arg2[%add3A_263, %dma_start3A_264] : memref<100000x128xf32, #tpu.memory_space<hbm>> -> memref<125x128xf32, #tpu.memory_space<hbm>>
      %dma_start3A_266 = arith.constant 0 : i32
      %dma_start3A_267 = tpu.memref_slice %arg2[%add3A_263, %dma_start3A_266] : memref<100000x128xf32, #tpu.memory_space<hbm>> -> memref<125x128xf32, #tpu.memory_space<hbm>>
      tpu.enqueue_dma source(%dma_start3A_267 : memref<125x128xf32, #tpu.memory_space<hbm>>) target(%arg10 : memref<125x128xf32, #tpu.memory_space<vmem>>) target_semaphore(%arg19 : memref<!tpu.dma_semaphore, #tpu.memory_space<semaphore_mem>>)
      %dma_wait3A_268 = arith.constant 0 : i32
      %dma_wait3A_269 = arith.constant 0 : i32
      %dma_wait3A_270 = tpu.memref_slice %arg12[%dma_wait3A_268, %dma_wait3A_269] : memref<25x125xi32, #tpu.memory_space<vmem>> -> memref<1x125xi32, #tpu.memory_space<vmem>>
      %dma_wait3A_271 = tpu.memref_squeeze %dma_wait3A_270 : memref<1x125xi32, #tpu.memory_space<vmem>> -> memref<125xi32, #tpu.memory_space<vmem>>
      %dma_wait3A_272 = arith.constant 0 : i32
      %dma_wait3A_273 = arith.constant 0 : i32
      %dma_wait3A_274 = tpu.memref_slice %arg14[%dma_wait3A_272, %dma_wait3A_273] : memref<1024x128xf32, #tpu.memory_space<vmem_shared>> -> memref<1024x128xf32, #tpu.memory_space<vmem_shared>>
      tpu.wait_indirect_dma semaphore(%arg26 : memref<!tpu.dma_semaphore, #tpu.memory_space<semaphore_mem>>) src(%arg11 : memref<125x128xf32, #tpu.memory_space<vmem>>) dst(%dma_wait3A_274 : memref<1024x128xf32, #tpu.memory_space<vmem_shared>>)
      %add3A_275 = arith.constant 5 : i32
      %add3A_276 = arith.addi %mul3A_187, %add3A_275 : i32
      %mul3A_277 = arith.constant 125 : i32
      %mul3A_278 = arith.muli %add3A_276, %mul3A_277 : i32
      %add3A_279 = arith.addi %mul3A_2, %mul3A_278 : i32
      %dma_start3A_280 = arith.constant 0 : i32
      %dma_start3A_281 = tpu.memref_slice %arg2[%add3A_279, %dma_start3A_280] : memref<100000x128xf32, #tpu.memory_space<hbm>> -> memref<125x128xf32, #tpu.memory_space<hbm>>
      %dma_start3A_282 = arith.constant 0 : i32
      %dma_start3A_283 = tpu.memref_slice %arg2[%add3A_279, %dma_start3A_282] : memref<100000x128xf32, #tpu.memory_space<hbm>> -> memref<125x128xf32, #tpu.memory_space<hbm>>
      tpu.enqueue_dma source(%dma_start3A_283 : memref<125x128xf32, #tpu.memory_space<hbm>>) target(%arg11 : memref<125x128xf32, #tpu.memory_space<vmem>>) target_semaphore(%arg20 : memref<!tpu.dma_semaphore, #tpu.memory_space<semaphore_mem>>)
      %dma_wait3A_284 = arith.constant 0 : i32
      %dma_wait3A_285 = tpu.memref_slice %arg2[%mul3A_2, %dma_wait3A_284] : memref<100000x128xf32, #tpu.memory_space<hbm>> -> memref<125x128xf32, #tpu.memory_space<hbm>>
      %dma_wait3A_286 = arith.constant 0 : i32
      %dma_wait3A_287 = tpu.memref_slice %arg2[%mul3A_2, %dma_wait3A_286] : memref<100000x128xf32, #tpu.memory_space<hbm>> -> memref<125x128xf32, #tpu.memory_space<hbm>>
      tpu.wait_dma2 semaphore(%arg15 : memref<!tpu.dma_semaphore, #tpu.memory_space<semaphore_mem>>) src(%dma_wait3A_287 : memref<125x128xf32, #tpu.memory_space<hbm>>) dst(%arg6 : memref<125x128xf32, #tpu.memory_space<vmem>>)
      %add3A_288 = arith.constant 0 : i32
      %add3A_289 = arith.addi %mul3A_187, %add3A_288 : i32
      %dma_start3A_290 = arith.constant 0 : i32
      %dma_start3A_291 = tpu.memref_slice %arg12[%add3A_289, %dma_start3A_290] : memref<25x125xi32, #tpu.memory_space<vmem>> -> memref<1x125xi32, #tpu.memory_space<vmem>>
      %dma_start3A_292 = tpu.memref_squeeze %dma_start3A_291 : memref<1x125xi32, #tpu.memory_space<vmem>> -> memref<125xi32, #tpu.memory_space<vmem>>
      %dma_start3A_293 = arith.constant 0 : i32
      %dma_start3A_294 = arith.constant 0 : i32
      %dma_start3A_295 = tpu.memref_slice %arg14[%dma_start3A_293, %dma_start3A_294] : memref<1024x128xf32, #tpu.memory_space<vmem_shared>> -> memref<1024x128xf32, #tpu.memory_space<vmem_shared>>
      tpu.enqueue_indirect_dma source(%arg6 : memref<125x128xf32, #tpu.memory_space<vmem>>) target(%dma_start3A_295 : memref<1024x128xf32, #tpu.memory_space<vmem_shared>>) offsets(%dma_start3A_292 : memref<125xi32, #tpu.memory_space<vmem>>) semaphore(%arg21 : memref<!tpu.dma_semaphore, #tpu.memory_space<semaphore_mem>>) {add = true}
      %dma_wait3A_296 = arith.constant 0 : i32
      %dma_wait3A_297 = tpu.memref_slice %arg2[%mul3A_2, %dma_wait3A_296] : memref<100000x128xf32, #tpu.memory_space<hbm>> -> memref<125x128xf32, #tpu.memory_space<hbm>>
      %dma_wait3A_298 = arith.constant 0 : i32
      %dma_wait3A_299 = tpu.memref_slice %arg2[%mul3A_2, %dma_wait3A_298] : memref<100000x128xf32, #tpu.memory_space<hbm>> -> memref<125x128xf32, #tpu.memory_space<hbm>>
      tpu.wait_dma2 semaphore(%arg16 : memref<!tpu.dma_semaphore, #tpu.memory_space<semaphore_mem>>) src(%dma_wait3A_299 : memref<125x128xf32, #tpu.memory_space<hbm>>) dst(%arg7 : memref<125x128xf32, #tpu.memory_space<vmem>>)
      %add3A_300 = arith.constant 1 : i32
      %add3A_301 = arith.addi %mul3A_187, %add3A_300 : i32
      %dma_start3A_302 = arith.constant 0 : i32
      %dma_start3A_303 = tpu.memref_slice %arg12[%add3A_301, %dma_start3A_302] : memref<25x125xi32, #tpu.memory_space<vmem>> -> memref<1x125xi32, #tpu.memory_space<vmem>>
      %dma_start3A_304 = tpu.memref_squeeze %dma_start3A_303 : memref<1x125xi32, #tpu.memory_space<vmem>> -> memref<125xi32, #tpu.memory_space<vmem>>
      %dma_start3A_305 = arith.constant 0 : i32
      %dma_start3A_306 = arith.constant 0 : i32
      %dma_start3A_307 = tpu.memref_slice %arg14[%dma_start3A_305, %dma_start3A_306] : memref<1024x128xf32, #tpu.memory_space<vmem_shared>> -> memref<1024x128xf32, #tpu.memory_space<vmem_shared>>
      tpu.enqueue_indirect_dma source(%arg7 : memref<125x128xf32, #tpu.memory_space<vmem>>) target(%dma_start3A_307 : memref<1024x128xf32, #tpu.memory_space<vmem_shared>>) offsets(%dma_start3A_304 : memref<125xi32, #tpu.memory_space<vmem>>) semaphore(%arg22 : memref<!tpu.dma_semaphore, #tpu.memory_space<semaphore_mem>>) {add = true}
      %dma_wait3A_308 = arith.constant 0 : i32
      %dma_wait3A_309 = tpu.memref_slice %arg2[%mul3A_2, %dma_wait3A_308] : memref<100000x128xf32, #tpu.memory_space<hbm>> -> memref<125x128xf32, #tpu.memory_space<hbm>>
      %dma_wait3A_310 = arith.constant 0 : i32
      %dma_wait3A_311 = tpu.memref_slice %arg2[%mul3A_2, %dma_wait3A_310] : memref<100000x128xf32, #tpu.memory_space<hbm>> -> memref<125x128xf32, #tpu.memory_space<hbm>>
      tpu.wait_dma2 semaphore(%arg17 : memref<!tpu.dma_semaphore, #tpu.memory_space<semaphore_mem>>) src(%dma_wait3A_311 : memref<125x128xf32, #tpu.memory_space<hbm>>) dst(%arg8 : memref<125x128xf32, #tpu.memory_space<vmem>>)
      %add3A_312 = arith.constant 2 : i32
      %add3A_313 = arith.addi %mul3A_187, %add3A_312 : i32
      %dma_start3A_314 = arith.constant 0 : i32
      %dma_start3A_315 = tpu.memref_slice %arg12[%add3A_313, %dma_start3A_314] : memref<25x125xi32, #tpu.memory_space<vmem>> -> memref<1x125xi32, #tpu.memory_space<vmem>>
      %dma_start3A_316 = tpu.memref_squeeze %dma_start3A_315 : memref<1x125xi32, #tpu.memory_space<vmem>> -> memref<125xi32, #tpu.memory_space<vmem>>
      %dma_start3A_317 = arith.constant 0 : i32
      %dma_start3A_318 = arith.constant 0 : i32
      %dma_start3A_319 = tpu.memref_slice %arg14[%dma_start3A_317, %dma_start3A_318] : memref<1024x128xf32, #tpu.memory_space<vmem_shared>> -> memref<1024x128xf32, #tpu.memory_space<vmem_shared>>
      tpu.enqueue_indirect_dma source(%arg8 : memref<125x128xf32, #tpu.memory_space<vmem>>) target(%dma_start3A_319 : memref<1024x128xf32, #tpu.memory_space<vmem_shared>>) offsets(%dma_start3A_316 : memref<125xi32, #tpu.memory_space<vmem>>) semaphore(%arg23 : memref<!tpu.dma_semaphore, #tpu.memory_space<semaphore_mem>>) {add = true}
      %dma_wait3A_320 = arith.constant 0 : i32
      %dma_wait3A_321 = tpu.memref_slice %arg2[%mul3A_2, %dma_wait3A_320] : memref<100000x128xf32, #tpu.memory_space<hbm>> -> memref<125x128xf32, #tpu.memory_space<hbm>>
      %dma_wait3A_322 = arith.constant 0 : i32
      %dma_wait3A_323 = tpu.memref_slice %arg2[%mul3A_2, %dma_wait3A_322] : memref<100000x128xf32, #tpu.memory_space<hbm>> -> memref<125x128xf32, #tpu.memory_space<hbm>>
      tpu.wait_dma2 semaphore(%arg18 : memref<!tpu.dma_semaphore, #tpu.memory_space<semaphore_mem>>) src(%dma_wait3A_323 : memref<125x128xf32, #tpu.memory_space<hbm>>) dst(%arg9 : memref<125x128xf32, #tpu.memory_space<vmem>>)
      %add3A_324 = arith.constant 3 : i32
      %add3A_325 = arith.addi %mul3A_187, %add3A_324 : i32
      %dma_start3A_326 = arith.constant 0 : i32
      %dma_start3A_327 = tpu.memref_slice %arg12[%add3A_325, %dma_start3A_326] : memref<25x125xi32, #tpu.memory_space<vmem>> -> memref<1x125xi32, #tpu.memory_space<vmem>>
      %dma_start3A_328 = tpu.memref_squeeze %dma_start3A_327 : memref<1x125xi32, #tpu.memory_space<vmem>> -> memref<125xi32, #tpu.memory_space<vmem>>
      %dma_start3A_329 = arith.constant 0 : i32
      %dma_start3A_330 = arith.constant 0 : i32
      %dma_start3A_331 = tpu.memref_slice %arg14[%dma_start3A_329, %dma_start3A_330] : memref<1024x128xf32, #tpu.memory_space<vmem_shared>> -> memref<1024x128xf32, #tpu.memory_space<vmem_shared>>
      tpu.enqueue_indirect_dma source(%arg9 : memref<125x128xf32, #tpu.memory_space<vmem>>) target(%dma_start3A_331 : memref<1024x128xf32, #tpu.memory_space<vmem_shared>>) offsets(%dma_start3A_328 : memref<125xi32, #tpu.memory_space<vmem>>) semaphore(%arg24 : memref<!tpu.dma_semaphore, #tpu.memory_space<semaphore_mem>>) {add = true}
      %dma_wait3A_332 = arith.constant 0 : i32
      %dma_wait3A_333 = tpu.memref_slice %arg2[%mul3A_2, %dma_wait3A_332] : memref<100000x128xf32, #tpu.memory_space<hbm>> -> memref<125x128xf32, #tpu.memory_space<hbm>>
      %dma_wait3A_334 = arith.constant 0 : i32
      %dma_wait3A_335 = tpu.memref_slice %arg2[%mul3A_2, %dma_wait3A_334] : memref<100000x128xf32, #tpu.memory_space<hbm>> -> memref<125x128xf32, #tpu.memory_space<hbm>>
      tpu.wait_dma2 semaphore(%arg19 : memref<!tpu.dma_semaphore, #tpu.memory_space<semaphore_mem>>) src(%dma_wait3A_335 : memref<125x128xf32, #tpu.memory_space<hbm>>) dst(%arg10 : memref<125x128xf32, #tpu.memory_space<vmem>>)
      %add3A_336 = arith.constant 4 : i32
      %add3A_337 = arith.addi %mul3A_187, %add3A_336 : i32
      %dma_start3A_338 = arith.constant 0 : i32
      %dma_start3A_339 = tpu.memref_slice %arg12[%add3A_337, %dma_start3A_338] : memref<25x125xi32, #tpu.memory_space<vmem>> -> memref<1x125xi32, #tpu.memory_space<vmem>>
      %dma_start3A_340 = tpu.memref_squeeze %dma_start3A_339 : memref<1x125xi32, #tpu.memory_space<vmem>> -> memref<125xi32, #tpu.memory_space<vmem>>
      %dma_start3A_341 = arith.constant 0 : i32
      %dma_start3A_342 = arith.constant 0 : i32
      %dma_start3A_343 = tpu.memref_slice %arg14[%dma_start3A_341, %dma_start3A_342] : memref<1024x128xf32, #tpu.memory_space<vmem_shared>> -> memref<1024x128xf32, #tpu.memory_space<vmem_shared>>
      tpu.enqueue_indirect_dma source(%arg10 : memref<125x128xf32, #tpu.memory_space<vmem>>) target(%dma_start3A_343 : memref<1024x128xf32, #tpu.memory_space<vmem_shared>>) offsets(%dma_start3A_340 : memref<125xi32, #tpu.memory_space<vmem>>) semaphore(%arg25 : memref<!tpu.dma_semaphore, #tpu.memory_space<semaphore_mem>>) {add = true}
      %dma_wait3A_344 = arith.constant 0 : i32
      %dma_wait3A_345 = tpu.memref_slice %arg2[%mul3A_2, %dma_wait3A_344] : memref<100000x128xf32, #tpu.memory_space<hbm>> -> memref<125x128xf32, #tpu.memory_space<hbm>>
      %dma_wait3A_346 = arith.constant 0 : i32
      %dma_wait3A_347 = tpu.memref_slice %arg2[%mul3A_2, %dma_wait3A_346] : memref<100000x128xf32, #tpu.memory_space<hbm>> -> memref<125x128xf32, #tpu.memory_space<hbm>>
      tpu.wait_dma2 semaphore(%arg20 : memref<!tpu.dma_semaphore, #tpu.memory_space<semaphore_mem>>) src(%dma_wait3A_347 : memref<125x128xf32, #tpu.memory_space<hbm>>) dst(%arg11 : memref<125x128xf32, #tpu.memory_space<vmem>>)
      %add3A_348 = arith.constant 5 : i32
      %add3A_349 = arith.addi %mul3A_187, %add3A_348 : i32
      %dma_start3A_350 = arith.constant 0 : i32
      %dma_start3A_351 = tpu.memref_slice %arg12[%add3A_349, %dma_start3A_350] : memref<25x125xi32, #tpu.memory_space<vmem>> -> memref<1x125xi32, #tpu.memory_space<vmem>>
      %dma_start3A_352 = tpu.memref_squeeze %dma_start3A_351 : memref<1x125xi32, #tpu.memory_space<vmem>> -> memref<125xi32, #tpu.memory_space<vmem>>
      %dma_start3A_353 = arith.constant 0 : i32
      %dma_start3A_354 = arith.constant 0 : i32
      %dma_start3A_355 = tpu.memref_slice %arg14[%dma_start3A_353, %dma_start3A_354] : memref<1024x128xf32, #tpu.memory_space<vmem_shared>> -> memref<1024x128xf32, #tpu.memory_space<vmem_shared>>
      tpu.enqueue_indirect_dma source(%arg11 : memref<125x128xf32, #tpu.memory_space<vmem>>) target(%dma_start3A_355 : memref<1024x128xf32, #tpu.memory_space<vmem_shared>>) offsets(%dma_start3A_352 : memref<125xi32, #tpu.memory_space<vmem>>) semaphore(%arg26 : memref<!tpu.dma_semaphore, #tpu.memory_space<semaphore_mem>>) {add = true}
    }
    %scan3A_113 = arith.constant 3 : i32
    %dma_wait3A_114 = arith.constant 0 : i32
    %dma_wait3A_115 = arith.constant 0 : i32
    %dma_wait3A_116 = tpu.memref_slice %arg12[%dma_wait3A_114, %dma_wait3A_115] : memref<25x125xi32, #tpu.memory_space<vmem>> -> memref<1x125xi32, #tpu.memory_space<vmem>>
    %dma_wait3A_117 = tpu.memref_squeeze %dma_wait3A_116 : memref<1x125xi32, #tpu.memory_space<vmem>> -> memref<125xi32, #tpu.memory_space<vmem>>
    %dma_wait3A_118 = arith.constant 0 : i32
    %dma_wait3A_119 = arith.constant 0 : i32
    %dma_wait3A_120 = tpu.memref_slice %arg14[%dma_wait3A_118, %dma_wait3A_119] : memref<1024x128xf32, #tpu.memory_space<vmem_shared>> -> memref<1024x128xf32, #tpu.memory_space<vmem_shared>>
    tpu.wait_indirect_dma semaphore(%arg21 : memref<!tpu.dma_semaphore, #tpu.memory_space<semaphore_mem>>) src(%arg6 : memref<125x128xf32, #tpu.memory_space<vmem>>) dst(%dma_wait3A_120 : memref<1024x128xf32, #tpu.memory_space<vmem_shared>>)
    %add3A_121 = arith.constant 3000 : i32
    %add3A_122 = arith.addi %mul3A_2, %add3A_121 : i32
    %dma_start3A_123 = arith.constant 0 : i32
    %dma_start3A_124 = tpu.memref_slice %arg2[%add3A_122, %dma_start3A_123] : memref<100000x128xf32, #tpu.memory_space<hbm>> -> memref<125x128xf32, #tpu.memory_space<hbm>>
    %dma_start3A_125 = arith.constant 0 : i32
    %dma_start3A_126 = tpu.memref_slice %arg2[%add3A_122, %dma_start3A_125] : memref<100000x128xf32, #tpu.memory_space<hbm>> -> memref<125x128xf32, #tpu.memory_space<hbm>>
    tpu.enqueue_dma source(%dma_start3A_126 : memref<125x128xf32, #tpu.memory_space<hbm>>) target(%arg6 : memref<125x128xf32, #tpu.memory_space<vmem>>) target_semaphore(%arg15 : memref<!tpu.dma_semaphore, #tpu.memory_space<semaphore_mem>>)
    %dma_wait3A_127 = arith.constant 0 : i32
    %dma_wait3A_128 = tpu.memref_slice %arg2[%mul3A_2, %dma_wait3A_127] : memref<100000x128xf32, #tpu.memory_space<hbm>> -> memref<125x128xf32, #tpu.memory_space<hbm>>
    %dma_wait3A_129 = arith.constant 0 : i32
    %dma_wait3A_130 = tpu.memref_slice %arg2[%mul3A_2, %dma_wait3A_129] : memref<100000x128xf32, #tpu.memory_space<hbm>> -> memref<125x128xf32, #tpu.memory_space<hbm>>
    tpu.wait_dma2 semaphore(%arg15 : memref<!tpu.dma_semaphore, #tpu.memory_space<semaphore_mem>>) src(%dma_wait3A_130 : memref<125x128xf32, #tpu.memory_space<hbm>>) dst(%arg6 : memref<125x128xf32, #tpu.memory_space<vmem>>)
    %dma_start3A_131 = arith.constant 24 : i32
    %dma_start3A_132 = arith.constant 0 : i32
    %dma_start3A_133 = tpu.memref_slice %arg12[%dma_start3A_131, %dma_start3A_132] : memref<25x125xi32, #tpu.memory_space<vmem>> -> memref<1x125xi32, #tpu.memory_space<vmem>>
    %dma_start3A_134 = tpu.memref_squeeze %dma_start3A_133 : memref<1x125xi32, #tpu.memory_space<vmem>> -> memref<125xi32, #tpu.memory_space<vmem>>
    %dma_start3A_135 = arith.constant 0 : i32
    %dma_start3A_136 = arith.constant 0 : i32
    %dma_start3A_137 = tpu.memref_slice %arg14[%dma_start3A_135, %dma_start3A_136] : memref<1024x128xf32, #tpu.memory_space<vmem_shared>> -> memref<1024x128xf32, #tpu.memory_space<vmem_shared>>
    tpu.enqueue_indirect_dma source(%arg6 : memref<125x128xf32, #tpu.memory_space<vmem>>) target(%dma_start3A_137 : memref<1024x128xf32, #tpu.memory_space<vmem_shared>>) offsets(%dma_start3A_134 : memref<125xi32, #tpu.memory_space<vmem>>) semaphore(%arg21 : memref<!tpu.dma_semaphore, #tpu.memory_space<semaphore_mem>>) {add = true}
    %dma_wait3A_138 = arith.constant 0 : i32
    %dma_wait3A_139 = arith.constant 0 : i32
    %dma_wait3A_140 = tpu.memref_slice %arg12[%dma_wait3A_138, %dma_wait3A_139] : memref<25x125xi32, #tpu.memory_space<vmem>> -> memref<1x125xi32, #tpu.memory_space<vmem>>
    %dma_wait3A_141 = tpu.memref_squeeze %dma_wait3A_140 : memref<1x125xi32, #tpu.memory_space<vmem>> -> memref<125xi32, #tpu.memory_space<vmem>>
    %dma_wait3A_142 = arith.constant 0 : i32
    %dma_wait3A_143 = arith.constant 0 : i32
    %dma_wait3A_144 = tpu.memref_slice %arg14[%dma_wait3A_142, %dma_wait3A_143] : memref<1024x128xf32, #tpu.memory_space<vmem_shared>> -> memref<1024x128xf32, #tpu.memory_space<vmem_shared>>
    tpu.wait_indirect_dma semaphore(%arg21 : memref<!tpu.dma_semaphore, #tpu.memory_space<semaphore_mem>>) src(%arg6 : memref<125x128xf32, #tpu.memory_space<vmem>>) dst(%dma_wait3A_144 : memref<1024x128xf32, #tpu.memory_space<vmem_shared>>)
    %dma_wait3A_145 = arith.constant 0 : i32
    %dma_wait3A_146 = arith.constant 0 : i32
    %dma_wait3A_147 = tpu.memref_slice %arg12[%dma_wait3A_145, %dma_wait3A_146] : memref<25x125xi32, #tpu.memory_space<vmem>> -> memref<1x125xi32, #tpu.memory_space<vmem>>
    %dma_wait3A_148 = tpu.memref_squeeze %dma_wait3A_147 : memref<1x125xi32, #tpu.memory_space<vmem>> -> memref<125xi32, #tpu.memory_space<vmem>>
    %dma_wait3A_149 = arith.constant 0 : i32
    %dma_wait3A_150 = arith.constant 0 : i32
    %dma_wait3A_151 = tpu.memref_slice %arg14[%dma_wait3A_149, %dma_wait3A_150] : memref<1024x128xf32, #tpu.memory_space<vmem_shared>> -> memref<1024x128xf32, #tpu.memory_space<vmem_shared>>
    tpu.wait_indirect_dma semaphore(%arg22 : memref<!tpu.dma_semaphore, #tpu.memory_space<semaphore_mem>>) src(%arg7 : memref<125x128xf32, #tpu.memory_space<vmem>>) dst(%dma_wait3A_151 : memref<1024x128xf32, #tpu.memory_space<vmem_shared>>)
    %dma_wait3A_152 = arith.constant 0 : i32
    %dma_wait3A_153 = arith.constant 0 : i32
    %dma_wait3A_154 = tpu.memref_slice %arg12[%dma_wait3A_152, %dma_wait3A_153] : memref<25x125xi32, #tpu.memory_space<vmem>> -> memref<1x125xi32, #tpu.memory_space<vmem>>
    %dma_wait3A_155 = tpu.memref_squeeze %dma_wait3A_154 : memref<1x125xi32, #tpu.memory_space<vmem>> -> memref<125xi32, #tpu.memory_space<vmem>>
    %dma_wait3A_156 = arith.constant 0 : i32
    %dma_wait3A_157 = arith.constant 0 : i32
    %dma_wait3A_158 = tpu.memref_slice %arg14[%dma_wait3A_156, %dma_wait3A_157] : memref<1024x128xf32, #tpu.memory_space<vmem_shared>> -> memref<1024x128xf32, #tpu.memory_space<vmem_shared>>
    tpu.wait_indirect_dma semaphore(%arg23 : memref<!tpu.dma_semaphore, #tpu.memory_space<semaphore_mem>>) src(%arg8 : memref<125x128xf32, #tpu.memory_space<vmem>>) dst(%dma_wait3A_158 : memref<1024x128xf32, #tpu.memory_space<vmem_shared>>)
    %dma_wait3A_159 = arith.constant 0 : i32
    %dma_wait3A_160 = arith.constant 0 : i32
    %dma_wait3A_161 = tpu.memref_slice %arg12[%dma_wait3A_159, %dma_wait3A_160] : memref<25x125xi32, #tpu.memory_space<vmem>> -> memref<1x125xi32, #tpu.memory_space<vmem>>
    %dma_wait3A_162 = tpu.memref_squeeze %dma_wait3A_161 : memref<1x125xi32, #tpu.memory_space<vmem>> -> memref<125xi32, #tpu.memory_space<vmem>>
    %dma_wait3A_163 = arith.constant 0 : i32
    %dma_wait3A_164 = arith.constant 0 : i32
    %dma_wait3A_165 = tpu.memref_slice %arg14[%dma_wait3A_163, %dma_wait3A_164] : memref<1024x128xf32, #tpu.memory_space<vmem_shared>> -> memref<1024x128xf32, #tpu.memory_space<vmem_shared>>
    tpu.wait_indirect_dma semaphore(%arg24 : memref<!tpu.dma_semaphore, #tpu.memory_space<semaphore_mem>>) src(%arg9 : memref<125x128xf32, #tpu.memory_space<vmem>>) dst(%dma_wait3A_165 : memref<1024x128xf32, #tpu.memory_space<vmem_shared>>)
    %dma_wait3A_166 = arith.constant 0 : i32
    %dma_wait3A_167 = arith.constant 0 : i32
    %dma_wait3A_168 = tpu.memref_slice %arg12[%dma_wait3A_166, %dma_wait3A_167] : memref<25x125xi32, #tpu.memory_space<vmem>> -> memref<1x125xi32, #tpu.memory_space<vmem>>
    %dma_wait3A_169 = tpu.memref_squeeze %dma_wait3A_168 : memref<1x125xi32, #tpu.memory_space<vmem>> -> memref<125xi32, #tpu.memory_space<vmem>>
    %dma_wait3A_170 = arith.constant 0 : i32
    %dma_wait3A_171 = arith.constant 0 : i32
    %dma_wait3A_172 = tpu.memref_slice %arg14[%dma_wait3A_170, %dma_wait3A_171] : memref<1024x128xf32, #tpu.memory_space<vmem_shared>> -> memref<1024x128xf32, #tpu.memory_space<vmem_shared>>
    tpu.wait_indirect_dma semaphore(%arg25 : memref<!tpu.dma_semaphore, #tpu.memory_space<semaphore_mem>>) src(%arg10 : memref<125x128xf32, #tpu.memory_space<vmem>>) dst(%dma_wait3A_172 : memref<1024x128xf32, #tpu.memory_space<vmem_shared>>)
    %dma_wait3A_173 = arith.constant 0 : i32
    %dma_wait3A_174 = arith.constant 0 : i32
    %dma_wait3A_175 = tpu.memref_slice %arg12[%dma_wait3A_173, %dma_wait3A_174] : memref<25x125xi32, #tpu.memory_space<vmem>> -> memref<1x125xi32, #tpu.memory_space<vmem>>
    %dma_wait3A_176 = tpu.memref_squeeze %dma_wait3A_175 : memref<1x125xi32, #tpu.memory_space<vmem>> -> memref<125xi32, #tpu.memory_space<vmem>>
    %dma_wait3A_177 = arith.constant 0 : i32
    %dma_wait3A_178 = arith.constant 0 : i32
    %dma_wait3A_179 = tpu.memref_slice %arg14[%dma_wait3A_177, %dma_wait3A_178] : memref<1024x128xf32, #tpu.memory_space<vmem_shared>> -> memref<1024x128xf32, #tpu.memory_space<vmem_shared>>
    tpu.wait_indirect_dma semaphore(%arg26 : memref<!tpu.dma_semaphore, #tpu.memory_space<semaphore_mem>>) src(%arg11 : memref<125x128xf32, #tpu.memory_space<vmem>>) dst(%dma_wait3A_179 : memref<1024x128xf32, #tpu.memory_space<vmem_shared>>)
    %barrier3A_180 = arith.constant 0 : index
    tpu.barrier barrier_id(%barrier3A_180)
    %mul3A_181 = arith.constant 64 : i32
    %mul3A_182 = arith.muli %arg1, %mul3A_181 : i32
    "tpu.region"() ({
      %run_scoped3A = tpu.sem_alloc : memref<!tpu.dma_semaphore, #tpu.memory_space<semaphore_mem>>
      %dma_start3A_185 = arith.constant 0 : i32
      %dma_start3A_186 = tpu.memref_slice %arg14[%mul3A_182, %dma_start3A_185] : memref<1024x128xf32, #tpu.memory_space<vmem_shared>> -> memref<64x128xf32, #tpu.memory_space<vmem_shared>>
      %dma_start3A_187 = arith.constant 0 : i32
      %dma_start3A_188 = tpu.memref_slice %arg14[%mul3A_182, %dma_start3A_187] : memref<1024x128xf32, #tpu.memory_space<vmem_shared>> -> memref<64x128xf32, #tpu.memory_space<vmem_shared>>
      tpu.enqueue_dma source(%dma_start3A_188 : memref<64x128xf32, #tpu.memory_space<vmem_shared>>) target(%arg13 : memref<64x128xf32, #tpu.memory_space<vmem>>) target_semaphore(%run_scoped3A : memref<!tpu.dma_semaphore, #tpu.memory_space<semaphore_mem>>)
      %dma_wait3A_189 = arith.constant 0 : i32
      %dma_wait3A_190 = tpu.memref_slice %arg14[%mul3A_182, %dma_wait3A_189] : memref<1024x128xf32, #tpu.memory_space<vmem_shared>> -> memref<64x128xf32, #tpu.memory_space<vmem_shared>>
      %dma_wait3A_191 = arith.constant 0 : i32
      %dma_wait3A_192 = tpu.memref_slice %arg14[%mul3A_182, %dma_wait3A_191] : memref<1024x128xf32, #tpu.memory_space<vmem_shared>> -> memref<64x128xf32, #tpu.memory_space<vmem_shared>>
      tpu.wait_dma2 semaphore(%run_scoped3A : memref<!tpu.dma_semaphore, #tpu.memory_space<semaphore_mem>>) src(%dma_wait3A_192 : memref<64x128xf32, #tpu.memory_space<vmem_shared>>) dst(%arg13 : memref<64x128xf32, #tpu.memory_space<vmem>>)
      tpu.yield
    }) : () -> ()
    %mul3A_183 = arith.constant 64 : i32
    %mul3A_184 = arith.muli %arg1, %mul3A_183 : i32
    "tpu.region"() ({
      %run_scoped3A = tpu.sem_alloc : memref<!tpu.dma_semaphore, #tpu.memory_space<semaphore_mem>>
      %dma_start3A_185 = arith.constant 0 : i32
      %dma_start3A_186 = tpu.memref_slice %arg5[%arg0, %mul3A_184, %dma_start3A_185] : memref<2x1024x128xf32, #tpu.memory_space<hbm>> -> memref<1x64x128xf32, #tpu.memory_space<hbm>>
      %dma_start3A_187 = tpu.memref_squeeze %dma_start3A_186 : memref<1x64x128xf32, #tpu.memory_space<hbm>> -> memref<64x128xf32, #tpu.memory_space<hbm>>
      %dma_start3A_188 = arith.constant 0 : i32
      %dma_start3A_189 = tpu.memref_slice %arg5[%arg0, %mul3A_184, %dma_start3A_188] : memref<2x1024x128xf32, #tpu.memory_space<hbm>> -> memref<1x64x128xf32, #tpu.memory_space<hbm>>
      %dma_start3A_190 = tpu.memref_squeeze %dma_start3A_189 : memref<1x64x128xf32, #tpu.memory_space<hbm>> -> memref<64x128xf32, #tpu.memory_space<hbm>>
      tpu.enqueue_dma source(%arg13 : memref<64x128xf32, #tpu.memory_space<vmem>>) target(%dma_start3A_190 : memref<64x128xf32, #tpu.memory_space<hbm>>) target_semaphore(%run_scoped3A : memref<!tpu.dma_semaphore, #tpu.memory_space<semaphore_mem>>)
      %dma_wait3A_191 = arith.constant 0 : i32
      %dma_wait3A_192 = tpu.memref_slice %arg5[%arg0, %mul3A_184, %dma_wait3A_191] : memref<2x1024x128xf32, #tpu.memory_space<hbm>> -> memref<1x64x128xf32, #tpu.memory_space<hbm>>
      %dma_wait3A_193 = tpu.memref_squeeze %dma_wait3A_192 : memref<1x64x128xf32, #tpu.memory_space<hbm>> -> memref<64x128xf32, #tpu.memory_space<hbm>>
      %dma_wait3A_194 = arith.constant 0 : i32
      %dma_wait3A_195 = tpu.memref_slice %arg5[%arg0, %mul3A_184, %dma_wait3A_194] : memref<2x1024x128xf32, #tpu.memory_space<hbm>> -> memref<1x64x128xf32, #tpu.memory_space<hbm>>
      %dma_wait3A_196 = tpu.memref_squeeze %dma_wait3A_195 : memref<1x64x128xf32, #tpu.memory_space<hbm>> -> memref<64x128xf32, #tpu.memory_space<hbm>>
      tpu.wait_dma2 semaphore(%run_scoped3A : memref<!tpu.dma_semaphore, #tpu.memory_space<semaphore_mem>>) src(%arg13 : memref<64x128xf32, #tpu.memory_space<vmem>>) dst(%dma_wait3A_196 : memref<64x128xf32, #tpu.memory_space<hbm>>)
      tpu.yield
    }) : () -> ()
    return
  }
}

module attributes {stable_mosaic.version = 14 : i64} {
  func.func @_combine_body(%arg0: memref<2x1024x128xf32, #tpu.memory_space<vmem>>, %arg1: memref<1024x128xf32, #tpu.memory_space<vmem>>) attributes {dimension_semantics = [], scalar_prefetch = 0 : i64, scratch_operands = 0 : i64, tpu.core_type = #tpu.core_type<tc>} {
    %get3A = arith.constant 0 : index
    %get3A_0 = arith.constant 0 : index
    %get3A_1 = arith.constant 0 : index
    %get3A_2 = vector.load %arg0[%get3A, %get3A_0, %get3A_1] : memref<2x1024x128xf32, #tpu.memory_space<vmem>>, vector<1x1024x128xf32>
    %get3A_3 = vector.shape_cast %get3A_2 : vector<1x1024x128xf32> to vector<1024x128xf32>
    %get3A_4 = arith.constant 1 : index
    %get3A_5 = arith.constant 0 : index
    %get3A_6 = arith.constant 0 : index
    %get3A_7 = vector.load %arg0[%get3A_4, %get3A_5, %get3A_6] : memref<2x1024x128xf32, #tpu.memory_space<vmem>>, vector<1x1024x128xf32>
    %get3A_8 = vector.shape_cast %get3A_7 : vector<1x1024x128xf32> to vector<1024x128xf32>
    %add3A = arith.addf %get3A_3, %get3A_8 : vector<1024x128xf32>
    %swap3A = arith.constant 0 : index
    %swap3A_9 = arith.constant 0 : index
    %swap3A_10 = vector.load %arg1[%swap3A, %swap3A_9] : memref<1024x128xf32, #tpu.memory_space<vmem>>, vector<1024x128xf32>
    tpu.vector_store %arg1[%swap3A, %swap3A_9], %add3A {strides = array<i32>} : memref<1024x128xf32, #tpu.memory_space<vmem>>, vector<1024x128xf32>,
    return
  }
}

module attributes {stable_mosaic.version = 14 : i64} {
  func.func @_mlp_body(%arg0: i32, %arg1: memref<10000x128xf32, #tpu.memory_space<vmem>>, %arg2: memref<128x128xf32, #tpu.memory_space<vmem>>, %arg3: memref<1x128xf32, #tpu.memory_space<vmem>>, %arg4: memref<128x128xf32, #tpu.memory_space<vmem>>, %arg5: memref<1x128xf32, #tpu.memory_space<vmem>>, %arg6: memref<128x128xf32, #tpu.memory_space<vmem>>, %arg7: memref<1x128xf32, #tpu.memory_space<vmem>>, %arg8: memref<10000x128xf32, #tpu.memory_space<vmem>>, %arg9: memref<1024x128xf32, #tpu.memory_space<vmem>>) attributes {dimension_semantics = [#tpu.dimension_semantics<parallel>], iteration_bounds = array<i64: 10>, scalar_prefetch = 0 : i64, scratch_operands = 0 : i64, tpu.core_type = #tpu.core_type<tc>, window_params = [{transform_indices = @transform_0, window_bounds = array<i64: 10000, 128>}, {pipeline_mode = #tpu.pipeline_mode<synchronous>, transform_indices = @transform_1, window_bounds = array<i64: 128, 128>}, {pipeline_mode = #tpu.pipeline_mode<synchronous>, transform_indices = @transform_2, window_bounds = array<i64: 1, 128>}, {pipeline_mode = #tpu.pipeline_mode<synchronous>, transform_indices = @transform_3, window_bounds = array<i64: 128, 128>}, {pipeline_mode = #tpu.pipeline_mode<synchronous>, transform_indices = @transform_4, window_bounds = array<i64: 1, 128>}, {pipeline_mode = #tpu.pipeline_mode<synchronous>, transform_indices = @transform_5, window_bounds = array<i64: 128, 128>}, {pipeline_mode = #tpu.pipeline_mode<synchronous>, transform_indices = @transform_6, window_bounds = array<i64: 1, 128>}, {transform_indices = @transform_7, window_bounds = array<i64: 10000, 128>}, {pipeline_mode = #tpu.pipeline_mode<synchronous>, transform_indices = @transform_8, window_bounds = array<i64: 1024, 128>}]} {
    %get3A = arith.constant 0 : index
    %get3A_0 = arith.constant 0 : index
    %get3A_1 = vector.load %arg1[%get3A, %get3A_0] : memref<10000x128xf32, #tpu.memory_space<vmem>>, vector<10000x128xf32>
    %get3A_2 = arith.constant 0 : index
    %get3A_3 = arith.constant 0 : index
    %get3A_4 = vector.load %arg2[%get3A_2, %get3A_3] : memref<128x128xf32, #tpu.memory_space<vmem>>, vector<128x128xf32>
    %dot_general3A = arith.constant dense<0.000000e+00> : vector<10000x128xf32>
    %dot_general3A_5 = tpu.matmul %get3A_1, %get3A_4, %dot_general3A {dimension_numbers = #tpu.dot_dimension_numbers<[1], [1], [0], [0], [0, 0, 1, 0], [], []>, transpose_lhs_hint = false} : vector<10000x128xf32>, vector<128x128xf32>, vector<10000x128xf32> -> vector<10000x128xf32>
    %get3A_6 = arith.constant 0 : index
    %get3A_7 = arith.constant 0 : index
    %get3A_8 = vector.load %arg3[%get3A_6, %get3A_7] : memref<1x128xf32, #tpu.memory_space<vmem>>, vector<1x128xf32>
    %add3A = vector.broadcast %get3A_8 : vector<1x128xf32> to vector<10000x128xf32>
    %add3A_9 = arith.addf %dot_general3A_5, %add3A : vector<10000x128xf32>
    %max3A = arith.constant 0.000000e+00 : f32
    %max3A_10 = vector.broadcast %max3A : f32 to vector<10000x128xf32>
    %max3A_11 = arith.maximumf %add3A_9, %max3A_10 : vector<10000x128xf32>
    %get3A_12 = arith.constant 0 : index
    %get3A_13 = arith.constant 0 : index
    %get3A_14 = vector.load %arg4[%get3A_12, %get3A_13] : memref<128x128xf32, #tpu.memory_space<vmem>>, vector<128x128xf32>
    %dot_general3A_15 = arith.constant dense<0.000000e+00> : vector<10000x128xf32>
    %dot_general3A_16 = tpu.matmul %max3A_11, %get3A_14, %dot_general3A_15 {dimension_numbers = #tpu.dot_dimension_numbers<[1], [1], [0], [0], [0, 0, 1, 0], [], []>, transpose_lhs_hint = false} : vector<10000x128xf32>, vector<128x128xf32>, vector<10000x128xf32> -> vector<10000x128xf32>
    %get3A_17 = arith.constant 0 : index
    %get3A_18 = arith.constant 0 : index
    %get3A_19 = vector.load %arg5[%get3A_17, %get3A_18] : memref<1x128xf32, #tpu.memory_space<vmem>>, vector<1x128xf32>
    %add3A_20 = vector.broadcast %get3A_19 : vector<1x128xf32> to vector<10000x128xf32>
    %add3A_21 = arith.addf %dot_general3A_16, %add3A_20 : vector<10000x128xf32>
    %max3A_22 = arith.constant 0.000000e+00 : f32
    %max3A_23 = vector.broadcast %max3A_22 : f32 to vector<10000x128xf32>
    %max3A_24 = arith.maximumf %add3A_21, %max3A_23 : vector<10000x128xf32>
    %get3A_25 = arith.constant 0 : index
    %get3A_26 = arith.constant 0 : index
    %get3A_27 = vector.load %arg6[%get3A_25, %get3A_26] : memref<128x128xf32, #tpu.memory_space<vmem>>, vector<128x128xf32>
    %dot_general3A_28 = arith.constant dense<0.000000e+00> : vector<10000x128xf32>
    %dot_general3A_29 = tpu.matmul %max3A_24, %get3A_27, %dot_general3A_28 {dimension_numbers = #tpu.dot_dimension_numbers<[1], [1], [0], [0], [0, 0, 1, 0], [], []>, transpose_lhs_hint = false} : vector<10000x128xf32>, vector<128x128xf32>, vector<10000x128xf32> -> vector<10000x128xf32>
    %get3A_30 = arith.constant 0 : index
    %get3A_31 = arith.constant 0 : index
    %get3A_32 = vector.load %arg7[%get3A_30, %get3A_31] : memref<1x128xf32, #tpu.memory_space<vmem>>, vector<1x128xf32>
    %add3A_33 = vector.broadcast %get3A_32 : vector<1x128xf32> to vector<10000x128xf32>
    %add3A_34 = arith.addf %dot_general3A_29, %add3A_33 : vector<10000x128xf32>
    %neg3A = arith.constant 0.000000e+00 : f32
    %neg3A_35 = vector.broadcast %neg3A : f32 to vector<10000x128xf32>
    %neg3A_36 = arith.subf %neg3A_35, %add3A_34 : vector<10000x128xf32>
    %exp3A = math.exp %neg3A_36 : vector<10000x128xf32>
    %add3A_37 = arith.constant 1.000000e+00 : f32
    %add3A_38 = vector.broadcast %add3A_37 : f32 to vector<10000x128xf32>
    %add3A_39 = arith.addf %add3A_38, %exp3A : vector<10000x128xf32>
    %div3A = arith.constant 1.000000e+00 : f32
    %div3A_40 = vector.broadcast %div3A : f32 to vector<10000x128xf32>
    %div3A_41 = arith.divf %div3A_40, %add3A_39 : vector<10000x128xf32>
    %mul3A = arith.mulf %add3A_34, %div3A_41 : vector<10000x128xf32>
    %swap3A = arith.constant 0 : index
    %swap3A_42 = arith.constant 0 : index
    %swap3A_43 = vector.load %arg8[%swap3A, %swap3A_42] : memref<10000x128xf32, #tpu.memory_space<vmem>>, vector<10000x128xf32>
    tpu.vector_store %arg8[%swap3A, %swap3A_42], %mul3A {strides = array<i32>} : memref<10000x128xf32, #tpu.memory_space<vmem>>, vector<10000x128xf32>,
    %eq3A = arith.constant 0 : i32
    %eq3A_44 = arith.cmpi eq, %arg0, %eq3A : i32
    %convert_element_type3A = arith.extui %eq3A_44 : i1 to i32
    %cond3A = arith.constant 0 : i32
    %cond3A_45 = arith.cmpi ne, %convert_element_type3A, %cond3A : i32
    scf.if %cond3A_45 {
      %broadcast_in_dim3A = arith.constant 0.000000e+00 : f32
      %broadcast_in_dim3A_46 = vector.broadcast %broadcast_in_dim3A : f32 to vector<1024x128xf32>
      %swap3A_47 = arith.constant 0 : index
      %swap3A_48 = arith.constant 0 : index
      %swap3A_49 = vector.load %arg9[%swap3A_47, %swap3A_48] : memref<1024x128xf32, #tpu.memory_space<vmem>>, vector<1024x128xf32>
      tpu.vector_store %arg9[%swap3A_47, %swap3A_48], %broadcast_in_dim3A_46 {strides = array<i32>} : memref<1024x128xf32, #tpu.memory_space<vmem>>, vector<1024x128xf32>,
    } else {
    }
    return
  }
  func.func @transform_0(%arg0: i32) -> (i32, i32) {
    %c0_i32 = arith.constant 0 : i32
    %c0_i32_0 = arith.constant 0 : i32
    return %arg0, %c0_i32 : i32, i32
  }
  func.func @transform_1(%arg0: i32) -> (i32, i32) {
    %c0_i32 = arith.constant 0 : i32
    %c0_i32_0 = arith.constant 0 : i32
    %c0_i32_1 = arith.constant 0 : i32
    return %c0_i32, %c0_i32_0 : i32, i32
  }
  func.func @transform_2(%arg0: i32) -> (i32, i32) {
    %c0_i32 = arith.constant 0 : i32
    %c0_i32_0 = arith.constant 0 : i32
    %c0_i32_1 = arith.constant 0 : i32
    return %c0_i32, %c0_i32_0 : i32, i32
  }
  func.func @transform_3(%arg0: i32) -> (i32, i32) {
    %c0_i32 = arith.constant 0 : i32
    %c0_i32_0 = arith.constant 0 : i32
    %c0_i32_1 = arith.constant 0 : i32
    return %c0_i32, %c0_i32_0 : i32, i32
  }
  func.func @transform_4(%arg0: i32) -> (i32, i32) {
    %c0_i32 = arith.constant 0 : i32
    %c0_i32_0 = arith.constant 0 : i32
    %c0_i32_1 = arith.constant 0 : i32
    return %c0_i32, %c0_i32_0 : i32, i32
  }
  func.func @transform_5(%arg0: i32) -> (i32, i32) {
    %c0_i32 = arith.constant 0 : i32
    %c0_i32_0 = arith.constant 0 : i32
    %c0_i32_1 = arith.constant 0 : i32
    return %c0_i32, %c0_i32_0 : i32, i32
  }
  func.func @transform_6(%arg0: i32) -> (i32, i32) {
    %c0_i32 = arith.constant 0 : i32
    %c0_i32_0 = arith.constant 0 : i32
    %c0_i32_1 = arith.constant 0 : i32
    return %c0_i32, %c0_i32_0 : i32, i32
  }
  func.func @transform_7(%arg0: i32) -> (i32, i32) {
    %c0_i32 = arith.constant 0 : i32
    %c0_i32_0 = arith.constant 0 : i32
    return %arg0, %c0_i32 : i32, i32
  }
  func.func @transform_8(%arg0: i32) -> (i32, i32) {
    %c0_i32 = arith.constant 0 : i32
    %c0_i32_0 = arith.constant 0 : i32
    %c0_i32_1 = arith.constant 0 : i32
    return %c0_i32, %c0_i32_0 : i32, i32
  }
}

</mosaic_0001>

<sc_bundles>
// kernel: kernel.5.cloned.1.call-start
scs
__scs_entry_jumppad:
0x0: {  	(pc) =	sbr.rel $0x88, $3  }
0x1: {  	(tag) =	ssettag $0x0;
	lr =	simm.s32 $0x1  }
0x2: {  	[smem:$0x3F99] =	sst lr;
	_ =	strace $0xD0000000  }
0x3: {  	_ = 	snop  }
0x4: {  	_ = 	snop  }
0x5: {  	_ = 	snop  }
0x6: {  	_ = 	snop  }
0x7: {  	_ = 	snop  }
__scs_overlays_trampoline_lowered:
0x8: {  	[smem:$0x3FA8] =	sst s0  }
0x9: {  	[smem:$0x3FA9] =	sst s1  }
0xa: {  	[smem:$0x3FAA] =	sst s2  }
0xb: {  	[smem:$0x3FAB] =	sst s3  }
0xc: {  	[smem:$0x3FAC] =	sst s4  }
0xd: {  	[smem:$0x3FAD] =	sst s5  }
0xe: {  	[smem:$0x3FAE] =	sst s6  }
0xf: {  	[smem:$0x3FAF] =	sst s7  }
0x10: {  	[smem:$0x3FB0] =	sst s8  }
0x11: {  	[smem:$0x3FB1] =	sst s9;
	s0 =	simm.s32 @!p0 $0x0  }
0x12: {  	s1 =	sld [smem:$0x3F97];
	s0 =	simm.s32 @p0 $0x1  }
0x13: {  	[smem:$0x3FB2] =	sst s0;
	s0 =	simm.s32 @!p1 $0x0  }
0x14: {  	s2 =	sld [smem:$0x3F96];
	s0 =	simm.s32 @p1 $0x1  }
0x15: {  	[smem:$0x3FB3] =	sst s0;
	s0 =	simm.s32 @!p2 $0x0  }
0x16: {  	s3 =	sld [smem:$0x3FDB];
	s0 =	simm.s32 @p2 $0x1  }
0x17: {  	s4 =	simm.s32 $0x1BF5;
	[smem:$0x3FB5] =	sst s0  }
0x18: {  	s0 =	sld [smem:$0x3F98];
	_ =	swait.ge [sflag:s4], $0x0  }
0x19: {  	s7 =	sld [smem:$0x3F99]  }
0x1a: {  	s8 =	sadd.s32 $0xFFFFE003, lr  }
0x1b: {  	s9 =	sadd.s32 $0xFFFFFEF7, lr;
	s5 =	simm.s32 $0xFFFFFFFF;
	p2 =	slt.u32 s8, $0xFFFFF086  }
0x1c: {  	p1 =	slt.u32 s9, $0xF7A;
	s5 =	simm.s32 @!p2 $0x0  }
0x1d: {  	s5 =	simm.s32 @p1 $0x1;
	p0 =	seq.s32 s7, s2  }
0x1e: {  	s7 =	smul.u32 @!p0 $0xF7A, s2;
	p2 =	seq.s32 @!p0 s5, $0x0  }
0x1f: {  	s9 =	smul.u32 $0xF7A, s1;
	s8 =	simm.s32 @!p0 $0x1BF5;
	p2 =	por !p2, p0  }
0x20: {  	[sflag:s8] =	ssyncset.s32 @!p0 $0xFFFFF086;
	s6 =	sadd.s32 @!p0 s3, s7;
	s7 =	simm.s32 @!p0 $0x108  }
0x21: {  	s3 =	sadd.s32 s3, s9;
	s6 =	sadd.s32 @!p0 $0x88, s6;
	s7 =	simm.s32 @p2 $0x1082  }
0x22: {  	[simem:s7], [sflag:s8] =	dma.local @!p0 [hbm:s6], $0xF7A  }
0x23: {  	s9 =	sor.u32 $0xD0000000, s2;
	s6 =	simm.s32 $0x108;
	_ =	swait.ge @!p0 [sflag:s8], $0x0  }
0x24: {  	s3 =	sadd.s32 $0x88, s3;
	s6 =	simm.s32 @!p1 $0x1082;
	[sflag:s4] =	ssyncset.s32 $0xFFFFF086  }
0x25: {  	[simem:s6], [sflag:s4] =	dma.local [hbm:s3], $0xF7A  }
0x26: {  	[smem:$0x3F99] =	sst s1;
	(tag) =	ssettag s2;
	_ =	strace s9  }
0x27: {  	s1 =	sld [smem:$0x3FA9]  }
0x28: {  	s2 =	sld [smem:$0x3FAA]  }
0x29: {  	s4 =	sld [smem:$0x3FAC]  }
0x2a: {  	p0 =	seq.s32 s5, $0x0;
	s5 =	sld [smem:$0x3FAD]  }
0x2b: {  	s6 =	sld [smem:$0x3FAE]  }
0x2c: {  	s7 =	sld [smem:$0x3FAF]  }
0x2d: {  	s3 =	simm.s32 $0x108;
	s8 =	sld [smem:$0x3FB0]  }
0x2e: {  	s3 =	simm.s32 @!p0 $0x1082;
	s9 =	sld [smem:$0x3FB1]  }
0x2f: {  	lr =	sadd.s32 s0, s3;
	s0 =	sld [smem:$0x3FA8]  }
0x30: {  	s3 =	sld [smem:$0x3FAB]  }
0x31: {  	[smem:$0x3FB4] =	sst s10  }
0x32: {  	s10 =	sld [smem:$0x3FB2];
	_ =	sdelay $0x3  }
0x33: {  	p0 =	seq.s32 s10, $0x1;
	s10 =	sld [smem:$0x3FB4];
	_ =	sdelay $0x3  }
0x34: {  	[smem:$0x3FB4] =	sst s10  }
0x35: {  	s10 =	sld [smem:$0x3FB3];
	_ =	sdelay $0x3  }
0x36: {  	p1 =	seq.s32 s10, $0x1;
	s10 =	sld [smem:$0x3FB4];
	_ =	sdelay $0x3  }
0x37: {  	[smem:$0x3FB4] =	sst s10  }
0x38: {  	s10 =	sld [smem:$0x3FB5]  }
0x39: {  	_ = 	snop;
	(pc) =	sbr.ind lr, $3  }
0x3a: {  	_ = 	snop  }
0x3b: {  	_ = 	snop  }
0x3c: {  	p2 =	seq.s32 s10, $0x1;
	s10 =	sld [smem:$0x3FB4]  }
0x3d: {  	_ =	shalt  }
0x3e: {  	_ =	shalt  }
0x3f: {  	_ =	shalt  }
0x40: {  	_ =	shalt  }
0x41: {  	_ =	shalt  }
0x42: {  	_ =	shalt  }
0x43: {  	_ =	shalt  }
0x44: {  	_ =	shalt  }
0x45: {  	_ =	shalt  }
0x46: {  	_ =	shalt  }
0x47: {  	_ =	shalt  }
0x48: {  	_ =	shalt  }
0x49: {  	_ =	shalt  }
0x4a: {  	_ =	shalt  }
0x4b: {  	_ =	shalt  }
0x4c: {  	_ =	shalt  }
0x4d: {  	_ =	shalt  }
0x4e: {  	_ =	shalt  }
0x4f: {  	_ =	shalt  }
0x50: {  	_ =	shalt  }
0x51: {  	_ =	shalt  }
0x52: {  	_ =	shalt  }
0x53: {  	_ =	shalt  }
0x54: {  	_ =	shalt  }
0x55: {  	_ =	shalt  }
0x56: {  	_ =	shalt  }
0x57: {  	_ =	shalt  }
0x58: {  	_ =	shalt  }
0x59: {  	_ =	shalt  }
0x5a: {  	_ =	shalt  }
0x5b: {  	_ =	shalt  }
0x5c: {  	_ =	shalt  }
0x5d: {  	_ =	shalt  }
0x5e: {  	_ =	shalt  }
0x5f: {  	_ =	shalt  }
0x60: {  	_ =	shalt  }
0x61: {  	_ =	shalt  }
0x62: {  	_ =	shalt  }
0x63: {  	_ =	shalt  }
0x64: {  	_ =	shalt  }
0x65: {  	_ =	shalt  }
0x66: {  	_ =	shalt  }
0x67: {  	_ =	shalt  }
0x68: {  	_ =	shalt  }
0x69: {  	_ =	shalt  }
0x6a: {  	_ =	shalt  }
0x6b: {  	_ =	shalt  }
0x6c: {  	_ =	shalt  }
0x6d: {  	_ =	shalt  }
0x6e: {  	_ =	shalt  }
0x6f: {  	_ =	shalt  }
0x70: {  	_ =	shalt  }
0x71: {  	_ =	shalt  }
0x72: {  	_ =	shalt  }
0x73: {  	_ =	shalt  }
0x74: {  	_ =	shalt  }
0x75: {  	_ =	shalt  }
0x76: {  	_ =	shalt  }
0x77: {  	_ =	shalt  }
0x78: {  	_ =	shalt  }
0x79: {  	_ =	shalt  }
0x7a: {  	_ =	shalt  }
0x7b: {  	_ =	shalt  }
0x7c: {  	_ =	shalt  }
0x7d: {  	_ =	shalt  }
0x7e: {  	_ =	shalt  }
0x7f: {  	_ =	shalt  }
0x80: {  	_ =	shalt  }
0x81: {  	_ =	shalt  }
0x82: {  	_ =	shalt  }
0x83: {  	_ =	shalt  }
0x84: {  	_ =	shalt  }
0x85: {  	_ =	shalt  }
0x86: {  	_ =	shalt  }
0x87: {  	_ =	shalt  }
.Lfunc_end0:
.L_simem_size_0:
called_computation_lowered:
.L_overlay_start_0:
0x88: {  	s2 =	sld [smem:$0x3FD9]  }
0x89: {  	s3 =	sld [smem:$0x3FFE];
	_ =	sdelay $0x1  }
0x8a: {  	s1 =	srdreg.scid  }
0x8b: {  	s0 =	sand.u32 $0x1, s1  }
0x8c: {  	s17 =	sshll.u32 s0, $0xA;
	s2 =	sadd.s32 s3, s2  }
0x8d: {  	s2 =	sadd.s32 s2, s17  }
0x8e: {  	[smem:$0x3FC0] =	sst s2  }
0x8f: {  	_ = 	snop  }
0x90: {  	s2 =	sld [smem:$0x3FD0];
	(tm) =	ssettm $0x1  }
0x91: {  	s18 =	sld [smem:$0x3FFB];
	_ =	sdelay $0x3  }
0x92: {  	_ =	strace s18  }
0x93: {  	s3 =	sld [smem:$0x3FFC];
	_ =	sdelay $0x3  }
0x94: {  	_ =	strace s3  }
0x95: {  	s3 =	sld [smem:$0x3FFD];
	_ =	sdelay $0x3  }
0x96: {  	_ =	strace s3  }
0x97: {  	_ =	strace $0x8FFFFFFF  }
0x98: {  	s19 =	sld [smem:$0x3FDB];
	_ =	sdelay $0x1  }
0x99: {  	s4 =	simm.s32 $_scs_section_size  }
0x9a: {  	s5 =	simm.s32 $_size__tile_overlayer_lowered;
	s6 =	simm.s32 $_tile_overlayer_lowered  }
0x9b: {  	s22 =	simm.s32 $0x1BFF;
	s21 =	sshll.u32 s6, $0x1;
	s3 =	sadd.s32 s4, s19  }
0x9c: {  	s7 =	simm.s32 $0x0;
	s20 =	sshll.u32 s5, $0x1;
	s5 =	sadd.s32 s21, s3  }
0x9d: {  	[timem:s7], [sflag:s22] =	dma.local [hbm:s5], s20  }
0x9e: {  	_ =	swait.ge [sflag:s22], s20  }
0x9f: {  	s4 =	ssub.s32 $0x0, s20;
	[sflag:s22] =	ssyncset.done $0x0  }
0xa0: {  	[sflag:s22] =	ssyncadd.s32 s4;
	_ =	sdelay $0x1  }
0xa1: {  	s23 =	simm.s32 $0x1B8B  }
0xa2: {  	_ =	swait.ge [sflag:s23], $0x1  }
0xa3: {  	[sflag:s23] =	ssyncset.done $0x0  }
0xa4: {  	s25 =	simm.s32 $0x1B8E;
	s24 =	sld [smem:$0x3FFE];
	[sflag:s23] =	ssyncadd.s32 $0xFFFFFFFF  }
0xa5: {  	s26 =	simm.s32 $execute0_lowered;
	[smem:$0x3FD2] =	sst s25  }
0xa6: {  	s5 =	sshll.u32 s26, $0x1;
	_ =	strace $0x80000046;
	[dreg:$0x1] =	wrdreg $0xFFFFFFFF  }
0xa7: {  	s28 =	simm.s32 $_size_execute0_lowered;
	s3 =	sadd.s32 s3, s5;
	[dreg:$0x0] =	wrdreg $0x0  }
0xa8: {  	s5 =	sshll.u32 s28, $0x1;
	[dreg:$0x2] =	wrdreg s3  }
0xa9: {  	[dreg:$0x3] =	wrdreg s5  }
0xaa: {  	[dreg:$0x4] =	wrdreg $0xC0  }
0xab: {  	_ =	task [dreg:s7], $0x5FFFF  }
0xac: {  	[dreg:$0x1] =	wrdreg $0xFFFFFFFF  }
0xad: {  	[dreg:$0x0] =	wrdreg $0x60  }
0xae: {  	[dreg:$0x2] =	wrdreg s24  }
0xaf: {  	[dreg:$0x3] =	wrdreg s2  }
0xb0: {  	[dreg:$0x4] =	wrdreg $0x1A3800  }
0xb1: {  	[dreg:$0x5] =	wrdreg $0x9  }
0xb2: {  	_ =	task.clear_ibuf [dreg:s7], $0x6FFFF;
	_ =	strace $0x90000046  }
0xb3: {  	s29 =	simm.s32 $0x9;
	_ =	strace $0x80000048  }
0xb4: {  	_ =	swait.ge [sflag:s29], $0x1  }
0xb5: {  	[sflag:s29] =	ssyncadd.s32 $0xFFFFFFFF  }
0xb6: {  	_ =	strace $0x90000048  }
0xb7: {  	_ =	sfence  }
0xb8: {  	s30 =	sld [smem:$0x0];
	_ =	sdelay $0x2  }
0xb9: {  	s31 =	sshll.u32 s1, $0xD;
	s1 =	sshrl.u32 s1, $0x2  }
0xba: {  	s3 =	sand.u32 $0x4000, s31;
	s1 =	sadd.s32 s1, s30  }
0xbb: {  	s0 =	sor.u32 s3, s0;
	s1 =	sshll.u32 s1, $0x11  }
0xbc: {  	s0 =	sor.u32 s1, s0  }
0xbd: {  	s0 =	sadd.s32 $0x8F2B, s0  }
0xbe: {  	[sflag:s0] =	ssyncadd.remote.s32 $0x1  }
0xbf: {  	_ =	sfence.sel $0xFFFF  }
0xc0: {  	[dreg:$0x0] =	wrdreg $0xFFFFFFFF;
	(pc) =	sbr.abs _section_cstart, $3  }
0xc1: {  	[dreg:$0x1] =	wrdreg $0xFFFFFFFF  }
0xc2: {  	_ =	task.clear_ibuf [dreg:s7], $0x2FFFF;
	_ =	strace $0x9FFFFFFF  }
0xc3: {  	(tm) =	ssettm $0x7FFFFFFF  }
tec
execute0_lowered:
.L_overlay_start_1:
0x0: {  	(tag) =	ssettag $0x1  }
0x1: {  	s0 =	rddreg [dreg:$0x0]  }
0x2: {  	s2 =	rddreg [dreg:$0x1]  }
0x3: {  	s1 =	rddreg [dreg:$0x2];
	s3 =	srdreg.scid  }
0x4: {  	s13 =	stileid.u32;
	s28 =	simm.s32 $0xFA00;
	s29 =	simm.s32 $0x13880  }
0x5: {  	s30 =	simm.s32 $0x1;
	s31 =	simm.s32 $0x7D;
	s4 =	sand.u32 $0x1, s3  }
0x6: {  	s3 =	simm.s32 $0x0;
	s7 =	sadd.s32 $0x4800, s0;
	s8 =	sshll.u32 s13, $0xD  }
0x7: {  	s5 =	sshll.u32 s4, $0x4;
	[smem:$0x7FF] =	sst s3;
	s9 =	sshll.u32 s4, $0x11  }
0x8: {  	s10 =	ssub.s32 $0x2, s4;
	s14 =	sadd.s32 s8, s1;
	s4 =	smul.u32 $0xC350, s4  }
0x9: {  	s5 =	sor.u32 s13, s5;
	_ =	strace $0x80000047;
	s9 =	sor.u32 s8, s9  }
0xa: {  	s11 =	sshrl.u32 s10, $0x1;
	s8 =	simm.s32 $0x7;
	s6 =	smul.u32 $0x190, s5  }
0xb: {  	[dreg:$0x5] =	wrdreg s14;
	s9 =	sshrl.u32 s9, $0x3;
	s12 =	smul.u32 $0xC350, s5  }
0xc: {  	s26 =	ssub.s32 s10, s11;
	s5 =	smul.u32 $0x61A80, s5;
	s10 =	sshll.u32 s13, $0xA  }
0xd: {  	s11 =	smul.u32 $0xC35, s13;
	s2 =	sadd.s32 s2, s10;
	s20 =	smax.u32 s26, $0x1  }
0xe: {  	s10 =	simm.s32 $0x9;
	s6 =	sadd.s32 s6, s0;
	[dreg:$0x6] =	wrdreg s2  }
0xf: {  	s0 =	sadd.s32 s9, s0;
	s12 =	sadd.s32 s7, s12;
	[dreg:$0xf] =	wrdreg s20  }
0x10: {  	s5 =	sshrl.u32 s5, $0x3;
	s6 =	sadd.s32 $0x1600, s6;
	[dreg:$0x7] =	wrdreg s12  }
0x11: {  	s13 =	sadd.s32 s7, s5;
	s0 =	sadd.s32 $0x18B200, s0;
	[dreg:$0x4] =	wrdreg s6  }
0x12: {  	s4 =	sadd.s32 s11, s4;
	s5 =	sadd.s32 $0x7D0, s13;
	[dreg:$0xe] =	wrdreg s0  }
0x13: {  	s9 =	simm.s32 $0x8;
	s15 =	sadd.s32 $0xFA0, s13;
	[dreg:$0x8] =	wrdreg s5  }
0x14: {  	s11 =	simm.s32 $0xA;
	s16 =	sadd.s32 $0x1770, s13;
	[dreg:$0x9] =	wrdreg s15  }
0x15: {  	s4 =	sshll.u32 s4, $0x4;
	s17 =	sadd.s32 $0x1F40, s13;
	[dreg:$0xa] =	wrdreg s16  }
0x16: {  	s12 =	simm.s32 $0xB;
	s18 =	sadd.s32 $0x2710, s13;
	[dreg:$0xb] =	wrdreg s17  }
0x17: {  	s2 =	sadd.s32 $0xBB80, s13;
	s19 =	sadd.s32 s4, s7;
	[dreg:$0xc] =	wrdreg s18  }
0x18: {  	s0 =	simm.s32 $0x2;
	[dreg:$0xd] =	wrdreg s2;
	s21 =	sadd.s32 $0x2EE0, s19  }
0x19: {  	s4 =	simm.s32 $0x4;
	s22 =	sadd.s32 $0x36B0, s19;
	[dreg:$0x10] =	wrdreg s21  }
0x1a: {  	s6 =	simm.s32 $0x5;
	s23 =	sadd.s32 $0x55F0, s19;
	[dreg:$0x11] =	wrdreg s22  }
0x1b: {  	s7 =	simm.s32 $0x6;
	s24 =	sadd.s32 $0x4E20, s19;
	[dreg:$0x12] =	wrdreg s23  }
0x1c: {  	s13 =	simm.s32 $0xC;
	s25 =	sadd.s32 $0x4650, s19;
	[dreg:$0x13] =	wrdreg s24  }
0x1d: {  	s26 =	sadd.s32 $0x3E80, s19;
	s2 =	simm.s32 $0x3;
	[dreg:$0x14] =	wrdreg s25  }
0x1e: {  	s15 =	simm.s32 $0x0;
	[dreg:$0x15] =	wrdreg s26;
	s23 =	simm.s32 $0xD  }
0x1f: {  	s24 =	simm.s32 $0x3E80;
	s25 =	simm.s32 $0x7D00;
	s26 =	simm.s32 $0xBB80  }
.LBB2_1:
0x20: {  	s5 =	rddreg [dreg:$0x4];
	s17 =	simm.s32 $0x17700  }
0x21: {  	[tilespmem:s17], [sflag:$0xD] =	stream.linear.gather [hbm4b:s5+s3], $0xC80, $0x38;
	[tilespmem:$0x1C380] =	vst v63  }
0x22: {  	s16 =	stileid.u32;
	_ =	swait.ge [sflag:s23], $0xC80  }
0x23: {  	s14 =	sshrl.u32 s14, $0x3;
	s5 =	sshll.u32 s16, $0x6;
	[sflag:s23] =	ssyncset.done $0x0  }
0x24: {  	s5 =	sor.u32 $0x1C0D, s5;
	s16 =	rddreg [dreg:$0x6];
	[sflag:s23] =	ssyncadd.s32 $0xFFFFF380  }
0x25: {  	[spmem:s14], [sflag:s5] =	dma.local [hbm:s16], $0x400  }
0x26: {  	_ =	swait.ge [sflag:s23], $0x400  }
0x27: {  	[sflag:s23] =	ssyncset.done $0x0  }
0x28: {  	[sflag:s23] =	ssyncadd.s32 $0xFFFFFC00  }
0x29: {  	[bflag:$0x0] =	sbarrier.arrive $0xFFFF  }
0x2a: {  	s18 =	rddreg [dreg:$0x7]  }
0x2b: {  	[tilespmem:s3], [sflag:$0x1] =	stream.linear.gather [hbm4b:s18+s3], $0x3E80, $0x38;
	[tilespmem:$0x1C380] =	vst v63  }
0x2c: {  	s19 =	rddreg [dreg:$0x8]  }
0x2d: {  	[tilespmem:s24], [sflag:$0x2] =	stream.linear.gather [hbm4b:s19+s3], $0x3E80, $0x38;
	[tilespmem:$0x1C380] =	vst v63  }
0x2e: {  	s20 =	rddreg [dreg:$0x9]  }
0x2f: {  	[tilespmem:s25], [sflag:$0x3] =	stream.linear.gather [hbm4b:s20+s3], $0x3E80, $0x38;
	[tilespmem:$0x1C380] =	vst v63  }
0x30: {  	s21 =	rddreg [dreg:$0xa]  }
0x31: {  	[tilespmem:s26], [sflag:$0x4] =	stream.linear.gather [hbm4b:s21+s3], $0x3E80, $0x38;
	[tilespmem:$0x1C380] =	vst v63  }
0x32: {  	s22 =	rddreg [dreg:$0xb]  }
0x33: {  	[tilespmem:s28], [sflag:$0x5] =	stream.linear.gather [hbm4b:s22+s3], $0x3E80, $0x38;
	[tilespmem:$0x1C380] =	vst v63  }
0x34: {  	s14 =	rddreg [dreg:$0xc]  }
0x35: {  	[tilespmem:s29], [sflag:$0x6] =	stream.linear.gather [hbm4b:s14+s3], $0x3E80, $0x38;
	[tilespmem:$0x1C380] =	vst v63  }
0x36: {  	_ =	swait.ge [sflag:s30], $0x3E80  }
0x37: {  	[sflag:s30] =	ssyncset.done $0x0  }
0x38: {  	[sflag:s30] =	ssyncadd.s32 $0xFFFFC180  }
0x39: {  	[spmem:s1] =	stream.indirect.scatter.add.f32 [tilespmem:s3], [sflag:$0x7], $0x80, s17, s31, $0xb8;
	[tilespmem:$0x1C380] =	vst v63  }
0x3a: {  	_ =	swait.ge [sflag:s0], $0x3E80  }
0x3b: {  	[sflag:s0] =	ssyncset.done $0x0  }
0x3c: {  	s16 =	simm.s32 $0x17780;
	[sflag:s0] =	ssyncadd.s32 $0xFFFFC180  }
0x3d: {  	[spmem:s1] =	stream.indirect.scatter.add.f32 [tilespmem:s24], [sflag:$0x8], $0x80, s16, s31, $0xb8;
	[tilespmem:$0x1C380] =	vst v63  }
0x3e: {  	_ =	swait.ge [sflag:s2], $0x3E80  }
0x3f: {  	[sflag:s2] =	ssyncset.done $0x0  }
0x40: {  	s17 =	simm.s32 $0x17800;
	[sflag:s2] =	ssyncadd.s32 $0xFFFFC180  }
0x41: {  	[spmem:s1] =	stream.indirect.scatter.add.f32 [tilespmem:s25], [sflag:$0x9], $0x80, s17, s31, $0xb8;
	[tilespmem:$0x1C380] =	vst v63  }
0x42: {  	_ =	swait.ge [sflag:s4], $0x3E80  }
0x43: {  	[sflag:s4] =	ssyncset.done $0x0  }
0x44: {  	s18 =	simm.s32 $0x17880;
	[sflag:s4] =	ssyncadd.s32 $0xFFFFC180  }
0x45: {  	[spmem:s1] =	stream.indirect.scatter.add.f32 [tilespmem:s26], [sflag:$0xA], $0x80, s18, s31, $0xb8;
	[tilespmem:$0x1C380] =	vst v63  }
0x46: {  	_ =	swait.ge [sflag:s6], $0x3E80  }
0x47: {  	[sflag:s6] =	ssyncset.done $0x0  }
0x48: {  	s19 =	simm.s32 $0x17900;
	[sflag:s6] =	ssyncadd.s32 $0xFFFFC180  }
0x49: {  	[spmem:s1] =	stream.indirect.scatter.add.f32 [tilespmem:s28], [sflag:$0xB], $0x80, s19, s31, $0xb8;
	[tilespmem:$0x1C380] =	vst v63  }
0x4a: {  	_ =	swait.ge [sflag:s7], $0x3E80  }
0x4b: {  	[sflag:s7] =	ssyncset.done $0x0  }
0x4c: {  	s20 =	simm.s32 $0x17980;
	[sflag:s7] =	ssyncadd.s32 $0xFFFFC180  }
0x4d: {  	[spmem:s1] =	stream.indirect.scatter.add.f32 [tilespmem:s29], [sflag:$0xC], $0x80, s20, s31, $0xb8;
	[tilespmem:$0x1C380] =	vst v63  }
0x4e: {  	_ =	swait.ge [sflag:s8], $0x3E80  }
0x4f: {  	[sflag:s8] =	ssyncset.done $0x0  }
0x50: {  	s19 =	rddreg [dreg:$0x10];
	[sflag:s8] =	ssyncadd.s32 $0xFFFFC180  }
0x51: {  	[tilespmem:s3], [sflag:$0x1] =	stream.linear.gather [hbm4b:s19+s3], $0x3E80, $0x38;
	[tilespmem:$0x1C380] =	vst v63  }
0x52: {  	_ =	swait.ge [sflag:s9], $0x3E80  }
0x53: {  	[sflag:s9] =	ssyncset.done $0x0  }
0x54: {  	s17 =	rddreg [dreg:$0x11];
	[sflag:s9] =	ssyncadd.s32 $0xFFFFC180  }
0x55: {  	[tilespmem:s24], [sflag:$0x2] =	stream.linear.gather [hbm4b:s17+s3], $0x3E80, $0x38;
	[tilespmem:$0x1C380] =	vst v63  }
0x56: {  	_ =	swait.ge [sflag:s10], $0x3E80  }
0x57: {  	[sflag:s10] =	ssyncset.done $0x0  }
0x58: {  	s14 =	rddreg [dreg:$0x15];
	[sflag:s10] =	ssyncadd.s32 $0xFFFFC180  }
0x59: {  	[tilespmem:s25], [sflag:$0x3] =	stream.linear.gather [hbm4b:s14+s3], $0x3E80, $0x38;
	[tilespmem:$0x1C380] =	vst v63  }
0x5a: {  	_ =	swait.ge [sflag:s11], $0x3E80  }
0x5b: {  	[sflag:s11] =	ssyncset.done $0x0  }
0x5c: {  	s20 =	rddreg [dreg:$0x14];
	[sflag:s11] =	ssyncadd.s32 $0xFFFFC180  }
0x5d: {  	[tilespmem:s26], [sflag:$0x4] =	stream.linear.gather [hbm4b:s20+s3], $0x3E80, $0x38;
	[tilespmem:$0x1C380] =	vst v63  }
0x5e: {  	_ =	swait.ge [sflag:s12], $0x3E80  }
0x5f: {  	[sflag:s12] =	ssyncset.done $0x0  }
0x60: {  	s16 =	rddreg [dreg:$0x13];
	[sflag:s12] =	ssyncadd.s32 $0xFFFFC180  }
0x61: {  	[tilespmem:s28], [sflag:$0x5] =	stream.linear.gather [hbm4b:s16+s3], $0x3E80, $0x38;
	[tilespmem:$0x1C380] =	vst v63  }
0x62: {  	_ =	swait.ge [sflag:s13], $0x3E80  }
0x63: {  	[sflag:s13] =	ssyncset.done $0x0  }
0x64: {  	s18 =	rddreg [dreg:$0x12];
	[sflag:s13] =	ssyncadd.s32 $0xFFFFC180  }
0x65: {  	[tilespmem:s29], [sflag:$0x6] =	stream.linear.gather [hbm4b:s18+s3], $0x3E80, $0x38;
	[tilespmem:$0x1C380] =	vst v63  }
0x66: {  	_ =	swait.ge [sflag:s30], $0x3E80  }
0x67: {  	[sflag:s30] =	ssyncset.done $0x0  }
0x68: {  	s21 =	simm.s32 $0x17A00;
	[sflag:s30] =	ssyncadd.s32 $0xFFFFC180  }
0x69: {  	[spmem:s1] =	stream.indirect.scatter.add.f32 [tilespmem:s3], [sflag:$0x7], $0x80, s21, s31, $0xb8;
	[tilespmem:$0x1C380] =	vst v63  }
0x6a: {  	_ =	swait.ge [sflag:s0], $0x3E80  }
0x6b: {  	[sflag:s0] =	ssyncset.done $0x0  }
0x6c: {  	s22 =	simm.s32 $0x17A80;
	[sflag:s0] =	ssyncadd.s32 $0xFFFFC180  }
0x6d: {  	[spmem:s1] =	stream.indirect.scatter.add.f32 [tilespmem:s24], [sflag:$0x8], $0x80, s22, s31, $0xb8;
	[tilespmem:$0x1C380] =	vst v63  }
0x6e: {  	_ =	swait.ge [sflag:s2], $0x3E80  }
0x6f: {  	[sflag:s2] =	ssyncset.done $0x0  }
0x70: {  	s21 =	simm.s32 $0x17B00;
	[sflag:s2] =	ssyncadd.s32 $0xFFFFC180  }
0x71: {  	[spmem:s1] =	stream.indirect.scatter.add.f32 [tilespmem:s25], [sflag:$0x9], $0x80, s21, s31, $0xb8;
	[tilespmem:$0x1C380] =	vst v63  }
0x72: {  	_ =	swait.ge [sflag:s4], $0x3E80  }
0x73: {  	[sflag:s4] =	ssyncset.done $0x0  }
0x74: {  	s22 =	simm.s32 $0x17B80;
	[sflag:s4] =	ssyncadd.s32 $0xFFFFC180  }
0x75: {  	[spmem:s1] =	stream.indirect.scatter.add.f32 [tilespmem:s26], [sflag:$0xA], $0x80, s22, s31, $0xb8;
	[tilespmem:$0x1C380] =	vst v63  }
0x76: {  	_ =	swait.ge [sflag:s6], $0x3E80  }
0x77: {  	s19 =	sadd.s32 $0x2EE0, s19;
	[sflag:s6] =	ssyncset.done $0x0  }
0x78: {  	s17 =	sadd.s32 $0x2EE0, s17;
	s21 =	simm.s32 $0x17C00;
	[sflag:s6] =	ssyncadd.s32 $0xFFFFC180  }
0x79: {  	[spmem:s1] =	stream.indirect.scatter.add.f32 [tilespmem:s28], [sflag:$0xB], $0x80, s21, s31, $0xb8;
	[tilespmem:$0x1C380] =	vst v63  }
0x7a: {  	s14 =	sadd.s32 $0x2EE0, s14;
	s5 =	sadd.s32 $0x2EE0, s16;
	_ =	swait.ge [sflag:s7], $0x3E80  }
0x7b: {  	s16 =	sadd.s32 $0x2EE0, s20;
	s20 =	simm.s32 $0x17C80;
	[sflag:s7] =	ssyncset.done $0x0  }
0x7c: {  	s18 =	sadd.s32 $0x2EE0, s18;
	s22 =	simm.s32 $0xC00;
	[sflag:s7] =	ssyncadd.s32 $0xFFFFC180  }
.LBB2_2:
0x7d: {  	[spmem:s1] =	stream.indirect.scatter.add.f32 [tilespmem:s29], [sflag:$0xC], $0x80, s20, s31, $0xb8;
	[tilespmem:$0x1C380] =	vst v63  }
0x7e: {  	s20 =	smov.u32 s22  }
0x7f: {  	p0 =	sne.s32 s22, $0x1800;
	s22 =	sadd.s32 $0xC00, s22;
	_ =	swait.ge [sflag:s8], $0x3E80  }
0x80: {  	[sflag:s8] =	ssyncset.done $0x0  }
0x81: {  	[sflag:s8] =	ssyncadd.s32 $0xFFFFC180  }
0x82: {  	[tilespmem:s3], [sflag:$0x1] =	stream.linear.gather [hbm4b:s19+s3], $0x3E80, $0x38;
	[tilespmem:$0x1C380] =	vst v63  }
0x83: {  	_ =	swait.ge [sflag:s9], $0x3E80  }
0x84: {  	[sflag:s9] =	ssyncset.done $0x0  }
0x85: {  	[sflag:s9] =	ssyncadd.s32 $0xFFFFC180  }
0x86: {  	[tilespmem:s24], [sflag:$0x2] =	stream.linear.gather [hbm4b:s17+s3], $0x3E80, $0x38;
	[tilespmem:$0x1C380] =	vst v63  }
0x87: {  	_ =	swait.ge [sflag:s10], $0x3E80  }
0x88: {  	[sflag:s10] =	ssyncset.done $0x0  }
0x89: {  	[sflag:s10] =	ssyncadd.s32 $0xFFFFC180  }
0x8a: {  	[tilespmem:s25], [sflag:$0x3] =	stream.linear.gather [hbm4b:s14+s3], $0x3E80, $0x38;
	[tilespmem:$0x1C380] =	vst v63  }
0x8b: {  	_ =	swait.ge [sflag:s11], $0x3E80  }
0x8c: {  	[sflag:s11] =	ssyncset.done $0x0  }
0x8d: {  	[sflag:s11] =	ssyncadd.s32 $0xFFFFC180  }
0x8e: {  	[tilespmem:s26], [sflag:$0x4] =	stream.linear.gather [hbm4b:s16+s3], $0x3E80, $0x38;
	[tilespmem:$0x1C380] =	vst v63  }
0x8f: {  	_ =	swait.ge [sflag:s12], $0x3E80  }
0x90: {  	[sflag:s12] =	ssyncset.done $0x0  }
0x91: {  	[sflag:s12] =	ssyncadd.s32 $0xFFFFC180  }
0x92: {  	[tilespmem:s28], [sflag:$0x5] =	stream.linear.gather [hbm4b:s5+s3], $0x3E80, $0x38;
	[tilespmem:$0x1C380] =	vst v63  }
0x93: {  	_ =	swait.ge [sflag:s13], $0x3E80  }
0x94: {  	[sflag:s13] =	ssyncset.done $0x0  }
0x95: {  	[sflag:s13] =	ssyncadd.s32 $0xFFFFC180  }
0x96: {  	[tilespmem:s29], [sflag:$0x6] =	stream.linear.gather [hbm4b:s18+s3], $0x3E80, $0x38;
	[tilespmem:$0x1C380] =	vst v63  }
0x97: {  	_ =	swait.ge [sflag:s30], $0x3E80  }
0x98: {  	s20 =	sshra.s32 s20, $0x2;
	[sflag:s30] =	ssyncset.done $0x0  }
0x99: {  	s21 =	sadd.s32 $0x17A00, s20;
	[sflag:s30] =	ssyncadd.s32 $0xFFFFC180  }
0x9a: {  	[spmem:s1] =	stream.indirect.scatter.add.f32 [tilespmem:s3], [sflag:$0x7], $0x80, s21, s31, $0xb8;
	[tilespmem:$0x1C380] =	vst v63  }
0x9b: {  	_ =	swait.ge [sflag:s0], $0x3E80  }
0x9c: {  	[sflag:s0] =	ssyncset.done $0x0  }
0x9d: {  	s21 =	sadd.s32 $0x17A80, s20;
	[sflag:s0] =	ssyncadd.s32 $0xFFFFC180  }
0x9e: {  	[spmem:s1] =	stream.indirect.scatter.add.f32 [tilespmem:s24], [sflag:$0x8], $0x80, s21, s31, $0xb8;
	[tilespmem:$0x1C380] =	vst v63  }
0x9f: {  	_ =	swait.ge [sflag:s2], $0x3E80  }
0xa0: {  	[sflag:s2] =	ssyncset.done $0x0  }
0xa1: {  	s21 =	sadd.s32 $0x17B00, s20;
	[sflag:s2] =	ssyncadd.s32 $0xFFFFC180  }
0xa2: {  	[spmem:s1] =	stream.indirect.scatter.add.f32 [tilespmem:s25], [sflag:$0x9], $0x80, s21, s31, $0xb8;
	[tilespmem:$0x1C380] =	vst v63  }
0xa3: {  	_ =	swait.ge [sflag:s4], $0x3E80  }
0xa4: {  	[sflag:s4] =	ssyncset.done $0x0  }
0xa5: {  	s21 =	sadd.s32 $0x17B80, s20;
	[sflag:s4] =	ssyncadd.s32 $0xFFFFC180  }
0xa6: {  	[spmem:s1] =	stream.indirect.scatter.add.f32 [tilespmem:s26], [sflag:$0xA], $0x80, s21, s31, $0xb8;
	[tilespmem:$0x1C380] =	vst v63  }
0xa7: {  	_ =	swait.ge [sflag:s6], $0x3E80  }
0xa8: {  	s14 =	sadd.s32 $0x2EE0, s14;
	[sflag:s6] =	ssyncset.done $0x0  }
.Ltmp0:
0xa9: {  	s21 =	sadd.s32 $0x17C00, s20;
	[sflag:s6] =	ssyncadd.s32 $0xFFFFC180;
	(pc) =	sbr.rel @p0 .LBB2_2-.Ltmp0, $4  }
0xaa: {  	[spmem:s1] =	stream.indirect.scatter.add.f32 [tilespmem:s28], [sflag:$0xB], $0x80, s21, s31, $0xb8;
	[tilespmem:$0x1C380] =	vst v63  }
0xab: {  	s16 =	sadd.s32 $0x2EE0, s16;
	s5 =	sadd.s32 $0x2EE0, s5;
	_ =	swait.ge [sflag:s7], $0x3E80  }
0xac: {  	s17 =	sadd.s32 $0x2EE0, s17;
	s18 =	sadd.s32 $0x2EE0, s18;
	[sflag:s7] =	ssyncset.done $0x0  }
0xad: {  	s19 =	sadd.s32 $0x2EE0, s19;
	s20 =	sadd.s32 $0x17C80, s20;
	[sflag:s7] =	ssyncadd.s32 $0xFFFFC180  }
0xae: {  	[spmem:s1] =	stream.indirect.scatter.add.f32 [tilespmem:s29], [sflag:$0xC], $0x80, s20, s31, $0xb8;
	[tilespmem:$0x1C380] =	vst v63  }
0xaf: {  	_ =	swait.ge [sflag:s8], $0x3E80  }
0xb0: {  	[sflag:s8] =	ssyncset.done $0x0  }
0xb1: {  	s5 =	rddreg [dreg:$0xd];
	[sflag:s8] =	ssyncadd.s32 $0xFFFFC180  }
0xb2: {  	[tilespmem:s3], [sflag:$0x1] =	stream.linear.gather [hbm4b:s5+s3], $0x3E80, $0x38;
	[tilespmem:$0x1C380] =	vst v63  }
0xb3: {  	_ =	swait.ge [sflag:s30], $0x3E80  }
0xb4: {  	[sflag:s30] =	ssyncset.done $0x0  }
0xb5: {  	s20 =	simm.s32 $0x18300;
	[sflag:s30] =	ssyncadd.s32 $0xFFFFC180  }
0xb6: {  	[spmem:s1] =	stream.indirect.scatter.add.f32 [tilespmem:s3], [sflag:$0x7], $0x80, s20, s31, $0xb8;
	[tilespmem:$0x1C380] =	vst v63  }
0xb7: {  	_ =	swait.ge [sflag:s8], $0x3E80  }
0xb8: {  	[sflag:s8] =	ssyncset.done $0x0  }
0xb9: {  	[sflag:s8] =	ssyncadd.s32 $0xFFFFC180  }
0xba: {  	_ =	swait.ge [sflag:s9], $0x3E80  }
0xbb: {  	[sflag:s9] =	ssyncset.done $0x0  }
0xbc: {  	[sflag:s9] =	ssyncadd.s32 $0xFFFFC180  }
0xbd: {  	_ =	swait.ge [sflag:s10], $0x3E80  }
0xbe: {  	[sflag:s10] =	ssyncset.done $0x0  }
0xbf: {  	[sflag:s10] =	ssyncadd.s32 $0xFFFFC180  }
0xc0: {  	_ =	swait.ge [sflag:s11], $0x3E80  }
0xc1: {  	[sflag:s11] =	ssyncset.done $0x0  }
0xc2: {  	[sflag:s11] =	ssyncadd.s32 $0xFFFFC180  }
0xc3: {  	_ =	swait.ge [sflag:s12], $0x3E80  }
0xc4: {  	[sflag:s12] =	ssyncset.done $0x0  }
0xc5: {  	[sflag:s12] =	ssyncadd.s32 $0xFFFFC180  }
0xc6: {  	_ =	swait.ge [sflag:s13], $0x3E80  }
0xc7: {  	[sflag:s13] =	ssyncset.done $0x0  }
0xc8: {  	[sflag:s13] =	ssyncadd.s32 $0xFFFFC180  }
0xc9: {  	[bflag:$0x0] =	sbarrier.arrive $0xFFFF  }
0xca: {  	s16 =	simm.s32 $0x18380;
	s14 =	rddreg [dreg:$0x5]  }
0xcb: {  	[tilespmem:s16], [sflag:$0xD] =	stream.linear.gather [spmem:s14], $0x2000, $0x38;
	[tilespmem:$0x1C380] =	vst v63  }
0xcc: {  	_ =	swait.ge [sflag:s23], $0x2000  }
0xcd: {  	[sflag:s23] =	ssyncset.done $0x0  }
0xce: {  	s21 =	rddreg [dreg:$0xe];
	[sflag:s23] =	ssyncadd.s32 $0xFFFFE000  }
0xcf: {  	[hbm4b:s21+s3] =	stream.linear.scatter [tilespmem:s16], [sflag:$0xD], $0x2000, $0x38;
	[tilespmem:$0x1C380] =	vst v63  }
0xd0: {  	_ =	swait.ge [sflag:s23], $0x2000  }
0xd1: {  	s15 =	sadd.s32 $0x1, s15;
	s22 =	rddreg [dreg:$0xf]  }
0xd2: {  	p0 =	sne.s32 s15, s22  }
.Ltmp1:
0xd3: {  	_ = 	snop;
	(pc) =	sbr.rel @p0 .LBB2_1-.Ltmp1, $3  }
0xd4: {  	_ =	sdelay $0x1  }
0xd5: {  	[sflag:s23] =	ssyncset.done $0x0  }
0xd6: {  	[sflag:s23] =	ssyncadd.s32 $0xFFFFE000  }
0xd7: {  	_ =	sfence.sel $0x180000  }
0xd8: {  	[bflag:$0x0] =	sbarrier.arrive $0xFFFF  }
0xd9: {  	_ =	strace $0x90000047  }
0xda: {  	s0 =	stileid.u32;
	[bflag:$0x2] =	sbarrier.arrive $0xFFFF  }
0xdb: {  	p0 =	sne.s32 s0, $0x0;
	s0 =	rddreg [dreg:$0x3]  }
0xdc: {  	s0 =	sadd.s32 @!p0 $0x100000, s0  }
0xdd: {  	[sflag:s0] =	ssyncadd.tile.s32 @!p0 $0x1;
	_ =	shalt  }
.Lfunc_end2:
_tile_overlayer_lowered:
.L_overlay_start_2:
0xde: {  	(tag) =	ssettag $0x2  }
0xdf: {  	s0 =	rddreg [dreg:$0x0];
	s2 =	stileid.u32  }
0xe0: {  	s1 =	rddreg [dreg:$0x1];
	p0 =	sne.s32 s2, $0x0  }
0xe1: {  	s3 =	rddreg [dreg:$0x2];
	[bflag:$0x3] =	sbarrier.arrive $0xFFFF;
	s2 =	simm.s32 @!p0 $0x1C0D  }
0xe2: {  	[timem:s3], [sflag:s2] =	dma.local @!p0 [hbm:s0], s1  }
0xe3: {  	s0 =	simm.s32 @!p0 $0xD  }
0xe4: {  	_ =	swait.ge @!p0 [sflag:s0], s1  }
0xe5: {  	s1 =	ssub.s32 @!p0 $0x0, s1;
	[sflag:s0] =	ssyncset.done @!p0 $0x0  }
0xe6: {  	[sflag:s0] =	ssyncadd.s32 @!p0 s1  }
0xe7: {  	[bflag:$0x3] =	sbarrier.arrive $0xFFFF  }
0xe8: {  	_ =	shalt  }

</sc_bundles>
